<compile_context>
chip_gen: v7x
topology: tpu7x:2x2x1
jax: 0.10.2.dev20260603
libtpu: 0.0.44.dev20260713+nightly
codegen_flags: <defaults>
</compile_context>

<pallas_src>
import functools

import jax
import jax.numpy as jnp
from jax import lax
from jax.experimental import pallas as pl
from jax.experimental.pallas import tpu as pltpu
from jax.experimental.pallas import tpu_sc as plsc

_SIZE = (2, 2)

N_IN = 8 * 112 * 112 * 96
N_OUT = N_IN * _SIZE[0] * _SIZE[1]

NC, NS, L = 2, 16, 16
NCHUNK = 20
C = 1_927_168
STRIPE = C // NS
REM = N_OUT - (NCHUNK - 1) * C - (NS - 1) * STRIPE
ROUNDS = NCHUNK // NC

W = 2_048
PER_TILE = N_IN // NS
NWIN = PER_TILE // W
VPW = W // L
STAGE = 128


def _body(idx_hbm, upd_hbm, zeros_hbm, out_hbm,
          idx_win0, idx_win1, val_win0, val_win1,
          stage_idx, stage_val, spmem,
          semi0, semi1, semv0, semv1):
    iwins, vwins = (idx_win0, idx_win1), (val_win0, val_win1)
    isems, vsems = (semi0, semi1), (semv0, semv1)
    cid = lax.axis_index("c")
    sid = lax.axis_index("s")
    tile_base = sid * PER_TILE
    _LANE = lax.iota(jnp.int32, L)
    _DUMMY = C + _LANE

    def flush(_):
        pltpu.sync_copy(stage_val, spmem.at[stage_idx], add=True)
        return jnp.int32(0)

    def clean_tail(k16, ptr):
        cur_i = stage_idx[pl.ds(k16, L)]
        cur_v = stage_val[pl.ds(k16, L)]
        m = (k16 + _LANE) < ptr
        stage_idx[pl.ds(k16, L)] = jnp.where(m, cur_i, _DUMMY)
        stage_val[pl.ds(k16, L)] = jnp.where(m, cur_v, jnp.float32(0.0))

    def round_body(r, _carry):
        chunk = NC * r + cid
        base = chunk * C

        pltpu.sync_copy(zeros_hbm.at[pl.ds(sid * STRIPE, STRIPE)],
                        spmem.at[pl.ds(sid * STRIPE, STRIPE)])
        plsc.subcore_barrier()

        def make_vec_body(idx_win, val_win):
            def vec_body(j, ptr):
                off = j * L
                loc = idx_win[pl.ds(off, L)] - base
                inr = plsc.bitcast(loc, jnp.uint32) < jnp.uint32(C)

                def do_flush(p):
                    clean_tail(STAGE - 2 * L, p)
                    clean_tail(STAGE - L, p)
                    return flush(None)

                ptr = lax.cond(ptr > STAGE - 2 * L, do_flush,
                               lambda p: p, ptr)
                pos = plsc.cumsum(inr.astype(jnp.int32))
                dest = ptr + jnp.where(inr, pos - 1, L + _LANE)
                plsc.store_scatter(stage_idx, [dest], loc)
                plsc.store_scatter(stage_val, [dest], val_win[pl.ds(off, L)])
                return ptr + plsc.all_reduce_population_count(inr)[0]
            return vec_body

        for b in range(2):
            src = tile_base + b * W
            pltpu.async_copy(idx_hbm.at[pl.ds(src, W)], iwins[b], isems[b])
            pltpu.async_copy(upd_hbm.at[pl.ds(src, W)], vwins[b], vsems[b])

        def ring_body(g, ptr):
            for b in range(2):
                w = 2 * g + b
                pltpu.make_async_copy(idx_hbm.at[pl.ds(0, W)],
                                      iwins[b], isems[b]).wait()
                pltpu.make_async_copy(upd_hbm.at[pl.ds(0, W)],
                                      vwins[b], vsems[b]).wait()
                ptr = lax.fori_loop(0, VPW, make_vec_body(iwins[b], vwins[b]),
                                    ptr)

                @pl.when(w + 2 < NWIN)
                def _():
                    nsrc = tile_base + (w + 2) * W
                    pltpu.async_copy(idx_hbm.at[pl.ds(nsrc, W)],
                                     iwins[b], isems[b])
                    pltpu.async_copy(upd_hbm.at[pl.ds(nsrc, W)],
                                     vwins[b], vsems[b])
            return ptr

        ptr = lax.fori_loop(0, NWIN // 2, ring_body, jnp.int32(0))

        def drain_clean(k, ptr):
            clean_tail(k * L, ptr)
            return ptr
        ptr = lax.fori_loop(0, STAGE // L, drain_clean, ptr)
        flush(None)
        plsc.subcore_barrier()

        start = base + sid * STRIPE

        @pl.when(start + STRIPE <= N_OUT)
        def _():
            pltpu.sync_copy(spmem.at[pl.ds(sid * STRIPE, STRIPE)],
                            out_hbm.at[pl.ds(start, STRIPE)])

        @pl.when(jnp.logical_and(start < N_OUT, start + STRIPE > N_OUT))
        def _():
            pltpu.sync_copy(spmem.at[pl.ds(sid * STRIPE, REM)],
                            out_hbm.at[pl.ds(start, REM)])

        return _carry

    lax.fori_loop(0, ROUNDS, round_body, jnp.int32(0))


def kernel(updates, mask):
    B, H, Wd, Ch = updates.shape
    out_h = H * _SIZE[0]
    out_w = Wd * _SIZE[1]
    flat_idx = mask.reshape(-1).astype(jnp.int32)
    flat_upd = updates.reshape(-1)
    zeros = jnp.zeros((C,), dtype=jnp.float32)

    mesh = plsc.VectorSubcoreMesh(core_axis_name="c", subcore_axis_name="s")
    run = functools.partial(
        pl.kernel,
        mesh=mesh,
        compiler_params=pltpu.CompilerParams(needs_layout_passes=False),
        out_type=jax.ShapeDtypeStruct((N_OUT,), jnp.float32),
        scratch_types=[
            pltpu.VMEM((W,), jnp.int32),
            pltpu.VMEM((W,), jnp.int32),
            pltpu.VMEM((W,), jnp.float32),
            pltpu.VMEM((W,), jnp.float32),
            pltpu.VMEM((STAGE,), jnp.int32),
            pltpu.VMEM((STAGE,), jnp.float32),
            pltpu.VMEM_SHARED((C + L,), jnp.float32),
            pltpu.SemaphoreType.DMA,
            pltpu.SemaphoreType.DMA,
            pltpu.SemaphoreType.DMA,
            pltpu.SemaphoreType.DMA,
        ],
    )(_body)
    out = run(flat_idx, flat_upd, zeros)
    return out.reshape(-1, out_h, out_w, Ch)

# --- scband reference (transcript-rebuilt; emitter-appended) ---
"""Pipeline reference for scband-max-unpooling2-d-52295521796360 (READ-ONLY COPY).

The authoritative reference and input builder live on the scoring server;
editing this copy changes nothing except your own understanding.
"""

import jax, jax.numpy as jnp
import numpy as np

SIZE = (2, 2)

def setup_inputs(seed: int = 0) -> dict:
    key = jax.random.key(seed)
    k1, k2 = jax.random.split(key)
    B, H, W, C = 8, 112, 112, 96
    total = B * (H * SIZE[0]) * (W * SIZE[1]) * C  # 38535168
    updates = jax.random.normal(k1, (B, H, W, C), dtype=jnp.float32)
    mask = jax.random.randint(k2, (B, H, W, C), 0, total, dtype=jnp.int32).astype(jnp.int64)
    return {"updates": updates, "mask": mask}

def reference(updates, mask):
    # Faithful translation of MaxUnpooling2D.call with output_shape=None.
    # tf.scatter_nd sums contributions at duplicate indices -> .at[].add
    B, H, W, C = updates.shape
    out_h = H * SIZE[0]
    out_w = W * SIZE[1]
    total = B * out_h * out_w * C
    flat_idx = mask.reshape(-1).astype(jnp.int32)
    flat_upd = updates.reshape(-1)
    ret = jnp.zeros((total,), dtype=updates.dtype).at[flat_idx].add(flat_upd)
    return ret.reshape(-1, out_h, out_w, C)

if __name__ == "__main__":
    import jax
    _d = setup_inputs()
    print(jax.jit(kernel)(*tuple(_d.values())))

</pallas_src>

<mosaic_0001>
#map = affine_map<(d0, d1) -> (0)>
module attributes {stable_mosaic.version = 14 : i64} {
  func.func @_body(%arg0: i32, %arg1: i32, %arg2: memref<9633792xi32, #tpu.memory_space<hbm>>, %arg3: memref<9633792xf32, #tpu.memory_space<hbm>>, %arg4: memref<1927168xf32, #tpu.memory_space<hbm>>, %arg5: memref<38535168xf32, #tpu.memory_space<hbm>>, %arg6: memref<2048xi32, #tpu.memory_space<vmem>>, %arg7: memref<2048xi32, #tpu.memory_space<vmem>>, %arg8: memref<2048xf32, #tpu.memory_space<vmem>>, %arg9: memref<2048xf32, #tpu.memory_space<vmem>>, %arg10: memref<128xi32, #tpu.memory_space<vmem>>, %arg11: memref<128xf32, #tpu.memory_space<vmem>>, %arg12: memref<1927184xf32, #tpu.memory_space<vmem_shared>>, %arg13: memref<!tpu.dma_semaphore, #tpu.memory_space<semaphore_mem>>, %arg14: memref<!tpu.dma_semaphore, #tpu.memory_space<semaphore_mem>>, %arg15: memref<!tpu.dma_semaphore, #tpu.memory_space<semaphore_mem>>, %arg16: memref<!tpu.dma_semaphore, #tpu.memory_space<semaphore_mem>>) attributes {dimension_semantics = [#tpu.dimension_semantics<core_parallel>, #tpu.dimension_semantics<subcore_parallel>], iteration_bounds = array<i64: 2, 16>, scalar_prefetch = 0 : i64, scratch_operands = 11 : i64, tpu.core_type = #tpu.core_type<sc_vector_subcore>, window_params = [{transform_indices = #map}, {transform_indices = #map}, {transform_indices = #map}, {transform_indices = #map}]} {
    %mul3A = arith.constant 602112 : i32
    %mul3A_0 = arith.muli %arg1, %mul3A : i32
    %iota3A = tpu.iota {dimensions = array<i32: 0>} : vector<16xi32>
    %add3A = arith.constant 1927168 : i32
    %add3A_1 = vector.broadcast %add3A : i32 to vector<16xi32>
    %add3A_2 = arith.addi %add3A_1, %iota3A : vector<16xi32>
    %scan3A = arith.constant 0 : i32
    %scan3A_3 = arith.constant 0 : i32
    %scan3A_4 = arith.constant 10 : i32
    %scan3A_5 = arith.addi %scan3A_3, %scan3A_4 : i32
    %scan3A_6 = arith.constant 1 : i32
    scf.for %scan3A_8 = %scan3A_3 to %scan3A_5 step %scan3A_6  : i32 {
      %mul3A_9 = arith.constant 2 : i32
      %mul3A_10 = arith.muli %mul3A_9, %scan3A_8 : i32
      %add3A_11 = arith.addi %mul3A_10, %arg0 : i32
      %mul3A_12 = arith.constant 1927168 : i32
      %mul3A_13 = arith.muli %add3A_11, %mul3A_12 : i32
      %mul3A_14 = arith.constant 120448 : i32
      %mul3A_15 = arith.muli %arg1, %mul3A_14 : i32
      %mul3A_16 = arith.constant 120448 : i32
      %mul3A_17 = arith.muli %arg1, %mul3A_16 : i32
      "tpu.region"() ({
        %run_scoped3A = tpu.sem_alloc : memref<!tpu.dma_semaphore, #tpu.memory_space<semaphore_mem>>
        %dma_start3A_56 = tpu.memref_slice %arg12[%mul3A_17] : memref<1927184xf32, #tpu.memory_space<vmem_shared>> -> memref<120448xf32, #tpu.memory_space<vmem_shared>>
        %dma_start3A_57 = tpu.memref_slice %arg4[%mul3A_15] : memref<1927168xf32, #tpu.memory_space<hbm>> -> memref<120448xf32, #tpu.memory_space<hbm>>
        tpu.enqueue_dma source(%dma_start3A_57 : memref<120448xf32, #tpu.memory_space<hbm>>) target(%dma_start3A_56 : memref<120448xf32, #tpu.memory_space<vmem_shared>>) target_semaphore(%run_scoped3A : memref<!tpu.dma_semaphore, #tpu.memory_space<semaphore_mem>>)
        %dma_wait3A = tpu.memref_slice %arg12[%mul3A_17] : memref<1927184xf32, #tpu.memory_space<vmem_shared>> -> memref<120448xf32, #tpu.memory_space<vmem_shared>>
        %dma_wait3A_58 = tpu.memref_slice %arg4[%mul3A_15] : memref<1927168xf32, #tpu.memory_space<hbm>> -> memref<120448xf32, #tpu.memory_space<hbm>>
        tpu.wait_dma2 semaphore(%run_scoped3A : memref<!tpu.dma_semaphore, #tpu.memory_space<semaphore_mem>>) src(%dma_wait3A_58 : memref<120448xf32, #tpu.memory_space<hbm>>) dst(%dma_wait3A : memref<120448xf32, #tpu.memory_space<vmem_shared>>)
        tpu.yield
      }) : () -> ()
      %barrier3A = arith.constant 0 : index
      tpu.barrier barrier_id(%barrier3A)
      %add3A_18 = arith.constant 0 : i32
      %add3A_19 = arith.addi %mul3A_0, %add3A_18 : i32
      %dma_start3A = tpu.memref_slice %arg2[%add3A_19] : memref<9633792xi32, #tpu.memory_space<hbm>> -> memref<2048xi32, #tpu.memory_space<hbm>>
      %dma_start3A_20 = tpu.memref_slice %arg2[%add3A_19] : memref<9633792xi32, #tpu.memory_space<hbm>> -> memref<2048xi32, #tpu.memory_space<hbm>>
      tpu.enqueue_dma source(%dma_start3A_20 : memref<2048xi32, #tpu.memory_space<hbm>>) target(%arg6 : memref<2048xi32, #tpu.memory_space<vmem>>) target_semaphore(%arg13 : memref<!tpu.dma_semaphore, #tpu.memory_space<semaphore_mem>>)
      %dma_start3A_21 = tpu.memref_slice %arg3[%add3A_19] : memref<9633792xf32, #tpu.memory_space<hbm>> -> memref<2048xf32, #tpu.memory_space<hbm>>
      %dma_start3A_22 = tpu.memref_slice %arg3[%add3A_19] : memref<9633792xf32, #tpu.memory_space<hbm>> -> memref<2048xf32, #tpu.memory_space<hbm>>
      tpu.enqueue_dma source(%dma_start3A_22 : memref<2048xf32, #tpu.memory_space<hbm>>) target(%arg8 : memref<2048xf32, #tpu.memory_space<vmem>>) target_semaphore(%arg15 : memref<!tpu.dma_semaphore, #tpu.memory_space<semaphore_mem>>)
      %add3A_23 = arith.constant 2048 : i32
      %add3A_24 = arith.addi %mul3A_0, %add3A_23 : i32
      %dma_start3A_25 = tpu.memref_slice %arg2[%add3A_24] : memref<9633792xi32, #tpu.memory_space<hbm>> -> memref<2048xi32, #tpu.memory_space<hbm>>
      %dma_start3A_26 = tpu.memref_slice %arg2[%add3A_24] : memref<9633792xi32, #tpu.memory_space<hbm>> -> memref<2048xi32, #tpu.memory_space<hbm>>
      tpu.enqueue_dma source(%dma_start3A_26 : memref<2048xi32, #tpu.memory_space<hbm>>) target(%arg7 : memref<2048xi32, #tpu.memory_space<vmem>>) target_semaphore(%arg14 : memref<!tpu.dma_semaphore, #tpu.memory_space<semaphore_mem>>)
      %dma_start3A_27 = tpu.memref_slice %arg3[%add3A_24] : memref<9633792xf32, #tpu.memory_space<hbm>> -> memref<2048xf32, #tpu.memory_space<hbm>>
      %dma_start3A_28 = tpu.memref_slice %arg3[%add3A_24] : memref<9633792xf32, #tpu.memory_space<hbm>> -> memref<2048xf32, #tpu.memory_space<hbm>>
      tpu.enqueue_dma source(%dma_start3A_28 : memref<2048xf32, #tpu.memory_space<hbm>>) target(%arg9 : memref<2048xf32, #tpu.memory_space<vmem>>) target_semaphore(%arg16 : memref<!tpu.dma_semaphore, #tpu.memory_space<semaphore_mem>>)
      %scan3A_29 = arith.constant 0 : i32
      %scan3A_30 = arith.constant 0 : i32
      %scan3A_31 = arith.constant 147 : i32
      %scan3A_32 = arith.addi %scan3A_30, %scan3A_31 : i32
      %scan3A_33 = arith.constant 1 : i32
      %scan3A_34 = scf.for %scan3A_56 = %scan3A_30 to %scan3A_32 step %scan3A_33 iter_args(%scan3A_57 = %scan3A_29) -> (i32)  : i32 {
        %mul3A_58 = arith.constant 2 : i32
        %mul3A_59 = arith.muli %mul3A_58, %scan3A_56 : i32
        %add3A_60 = arith.constant 0 : i32
        %add3A_61 = arith.addi %mul3A_59, %add3A_60 : i32
        %dma_wait3A = arith.constant 0 : i32
        %dma_wait3A_62 = tpu.memref_slice %arg2[%dma_wait3A] : memref<9633792xi32, #tpu.memory_space<hbm>> -> memref<2048xi32, #tpu.memory_space<hbm>>
        %dma_wait3A_63 = arith.constant 0 : i32
        %dma_wait3A_64 = tpu.memref_slice %arg2[%dma_wait3A_63] : memref<9633792xi32, #tpu.memory_space<hbm>> -> memref<2048xi32, #tpu.memory_space<hbm>>
        tpu.wait_dma2 semaphore(%arg13 : memref<!tpu.dma_semaphore, #tpu.memory_space<semaphore_mem>>) src(%dma_wait3A_64 : memref<2048xi32, #tpu.memory_space<hbm>>) dst(%arg6 : memref<2048xi32, #tpu.memory_space<vmem>>)
        %dma_wait3A_65 = arith.constant 0 : i32
        %dma_wait3A_66 = tpu.memref_slice %arg3[%dma_wait3A_65] : memref<9633792xf32, #tpu.memory_space<hbm>> -> memref<2048xf32, #tpu.memory_space<hbm>>
        %dma_wait3A_67 = arith.constant 0 : i32
        %dma_wait3A_68 = tpu.memref_slice %arg3[%dma_wait3A_67] : memref<9633792xf32, #tpu.memory_space<hbm>> -> memref<2048xf32, #tpu.memory_space<hbm>>
        tpu.wait_dma2 semaphore(%arg15 : memref<!tpu.dma_semaphore, #tpu.memory_space<semaphore_mem>>) src(%dma_wait3A_68 : memref<2048xf32, #tpu.memory_space<hbm>>) dst(%arg8 : memref<2048xf32, #tpu.memory_space<vmem>>)
        %scan3A_69 = arith.constant 0 : i32
        %scan3A_70 = arith.constant 128 : i32
        %scan3A_71 = arith.addi %scan3A_69, %scan3A_70 : i32
        %scan3A_72 = arith.constant 1 : i32
        %scan3A_73 = scf.for %scan3A_107 = %scan3A_69 to %scan3A_71 step %scan3A_72 iter_args(%scan3A_108 = %scan3A_57) -> (i32)  : i32 {
          %mul3A_109 = arith.constant 16 : i32
          %mul3A_110 = arith.muli %scan3A_107, %mul3A_109 : i32
          %get3A = arith.index_cast %mul3A_110 : i32 to index
          %get3A_111 = tpu.vector_load %arg6[%get3A] {strides = array<i32>} : memref<2048xi32, #tpu.memory_space<vmem>>, vector<16xi32>,
          %sub3A = vector.broadcast %mul3A_13 : i32 to vector<16xi32>
          %sub3A_112 = arith.subi %get3A_111, %sub3A : vector<16xi32>
          %bitcast3A = vector.bitcast %sub3A_112 : vector<16xi32> to vector<16xi32>
          %lt3A_113 = arith.constant 1927168 : i32
          %lt3A_114 = vector.broadcast %lt3A_113 : i32 to vector<16xi32>
          %lt3A_115 = arith.cmpi ult, %bitcast3A, %lt3A_114 : vector<16xi32>
          %gt3A_116 = arith.constant 96 : i32
          %gt3A_117 = arith.cmpi sgt, %scan3A_108, %gt3A_116 : i32
          %convert_element_type3A_118 = arith.extui %gt3A_117 : i1 to i32
          %cond3A_119 = arith.constant 0 : i32
          %cond3A_120 = arith.cmpi ne, %convert_element_type3A_118, %cond3A_119 : i32
          %cond3A_121 = scf.if %cond3A_120 -> (i32) {
            %get3A_135 = arith.constant 96 : index
            %get3A_136 = tpu.vector_load %arg10[%get3A_135] {strides = array<i32>} : memref<128xi32, #tpu.memory_space<vmem>>, vector<16xi32>,
            %get3A_137 = arith.constant 96 : index
            %get3A_138 = tpu.vector_load %arg11[%get3A_137] {strides = array<i32>} : memref<128xf32, #tpu.memory_space<vmem>>, vector<16xf32>,
            %add3A_139 = arith.constant 96 : i32
            %add3A_140 = vector.broadcast %add3A_139 : i32 to vector<16xi32>
            %add3A_141 = arith.addi %add3A_140, %iota3A : vector<16xi32>
            %lt3A_142 = vector.broadcast %scan3A_108 : i32 to vector<16xi32>
            %lt3A_143 = arith.cmpi slt, %add3A_141, %lt3A_142 : vector<16xi32>
            %select_n3A_144 = arith.select %lt3A_143, %get3A_136, %add3A_2 : vector<16xi1>, vector<16xi32>
            %swap3A = arith.constant 96 : index
            %swap3A_145 = tpu.vector_load %arg10[%swap3A] {strides = array<i32>} : memref<128xi32, #tpu.memory_space<vmem>>, vector<16xi32>,
            tpu.vector_store %arg10[%swap3A], %select_n3A_144 {strides = array<i32>} : memref<128xi32, #tpu.memory_space<vmem>>, vector<16xi32>,
            %jit3A = arith.constant 0.000000e+00 : f32
            %broadcast_in_dim3A_146 = vector.broadcast %jit3A : f32 to vector<16xf32>
            %select_n3A_147 = arith.select %lt3A_143, %get3A_138, %broadcast_in_dim3A_146 : vector<16xi1>, vector<16xf32>
            %swap3A_148 = arith.constant 96 : index
            %swap3A_149 = tpu.vector_load %arg11[%swap3A_148] {strides = array<i32>} : memref<128xf32, #tpu.memory_space<vmem>>, vector<16xf32>,
            tpu.vector_store %arg11[%swap3A_148], %select_n3A_147 {strides = array<i32>} : memref<128xf32, #tpu.memory_space<vmem>>, vector<16xf32>,
            %get3A_150 = arith.constant 112 : index
            %get3A_151 = tpu.vector_load %arg10[%get3A_150] {strides = array<i32>} : memref<128xi32, #tpu.memory_space<vmem>>, vector<16xi32>,
            %get3A_152 = arith.constant 112 : index
            %get3A_153 = tpu.vector_load %arg11[%get3A_152] {strides = array<i32>} : memref<128xf32, #tpu.memory_space<vmem>>, vector<16xf32>,
            %add3A_154 = arith.constant 112 : i32
            %add3A_155 = vector.broadcast %add3A_154 : i32 to vector<16xi32>
            %add3A_156 = arith.addi %add3A_155, %iota3A : vector<16xi32>
            %lt3A_157 = vector.broadcast %scan3A_108 : i32 to vector<16xi32>
            %lt3A_158 = arith.cmpi slt, %add3A_156, %lt3A_157 : vector<16xi32>
            %select_n3A_159 = arith.select %lt3A_158, %get3A_151, %add3A_2 : vector<16xi1>, vector<16xi32>
            %swap3A_160 = arith.constant 112 : index
            %swap3A_161 = tpu.vector_load %arg10[%swap3A_160] {strides = array<i32>} : memref<128xi32, #tpu.memory_space<vmem>>, vector<16xi32>,
            tpu.vector_store %arg10[%swap3A_160], %select_n3A_159 {strides = array<i32>} : memref<128xi32, #tpu.memory_space<vmem>>, vector<16xi32>,
            %jit3A_162 = arith.constant 0.000000e+00 : f32
            %broadcast_in_dim3A_163 = vector.broadcast %jit3A_162 : f32 to vector<16xf32>
            %select_n3A_164 = arith.select %lt3A_158, %get3A_153, %broadcast_in_dim3A_163 : vector<16xi1>, vector<16xf32>
            %swap3A_165 = arith.constant 112 : index
            %swap3A_166 = tpu.vector_load %arg11[%swap3A_165] {strides = array<i32>} : memref<128xf32, #tpu.memory_space<vmem>>, vector<16xf32>,
            tpu.vector_store %arg11[%swap3A_165], %select_n3A_164 {strides = array<i32>} : memref<128xf32, #tpu.memory_space<vmem>>, vector<16xf32>,
            "tpu.region"() ({
              %run_scoped3A = tpu.sem_alloc : memref<!tpu.dma_semaphore, #tpu.memory_space<semaphore_mem>>
              %dma_start3A_168 = arith.constant 0 : i32
              %dma_start3A_169 = tpu.memref_slice %arg12[%dma_start3A_168] : memref<1927184xf32, #tpu.memory_space<vmem_shared>> -> memref<1927184xf32, #tpu.memory_space<vmem_shared>>
              tpu.enqueue_indirect_dma source(%arg11 : memref<128xf32, #tpu.memory_space<vmem>>) target(%dma_start3A_169 : memref<1927184xf32, #tpu.memory_space<vmem_shared>>) offsets(%arg10 : memref<128xi32, #tpu.memory_space<vmem>>) semaphore(%run_scoped3A : memref<!tpu.dma_semaphore, #tpu.memory_space<semaphore_mem>>) {add = true}
              %dma_wait3A_170 = arith.constant 0 : i32
              %dma_wait3A_171 = tpu.memref_slice %arg12[%dma_wait3A_170] : memref<1927184xf32, #tpu.memory_space<vmem_shared>> -> memref<1927184xf32, #tpu.memory_space<vmem_shared>>
              tpu.wait_indirect_dma semaphore(%run_scoped3A : memref<!tpu.dma_semaphore, #tpu.memory_space<semaphore_mem>>) src(%arg11 : memref<128xf32, #tpu.memory_space<vmem>>) dst(%dma_wait3A_171 : memref<1927184xf32, #tpu.memory_space<vmem_shared>>)
              tpu.yield
            }) : () -> ()
            %cond3A_167 = arith.constant 0 : i32
            scf.yield %cond3A_167 : i32
          } else {
            scf.yield %scan3A_108 : i32
          }
          %convert_element_type3A_122 = arith.extui %lt3A_115 : vector<16xi1> to vector<16xi32>
          %broadcast_in_dim3A = arith.constant true
          %broadcast_in_dim3A_123 = vector.broadcast %broadcast_in_dim3A : i1 to vector<16xi1>
          %masked_cumsum3A = tpu.scan <sum>, %convert_element_type3A_122 masked %broadcast_in_dim3A_123 : vector<16xi32>, vector<16xi1> -> vector<16xi32>
          %sub3A_124 = arith.constant 1 : i32
          %sub3A_125 = vector.broadcast %sub3A_124 : i32 to vector<16xi32>
          %sub3A_126 = arith.subi %masked_cumsum3A, %sub3A_125 : vector<16xi32>
          %add3A_127 = arith.constant 16 : i32
          %add3A_128 = vector.broadcast %add3A_127 : i32 to vector<16xi32>
          %add3A_129 = arith.addi %add3A_128, %iota3A : vector<16xi32>
          %select_n3A = arith.select %lt3A_115, %sub3A_126, %add3A_129 : vector<16xi1>, vector<16xi32>
          %add3A_130 = vector.broadcast %cond3A_121 : i32 to vector<16xi32>
          %add3A_131 = arith.addi %add3A_130, %select_n3A : vector<16xi32>
          tpu.vector_store_idx %arg10[%add3A_131], %sub3A_112 : memref<128xi32, #tpu.memory_space<vmem>>[vector<16xi32>], vector<16xi32>,
          %get3A_132 = arith.index_cast %mul3A_110 : i32 to index
          %get3A_133 = tpu.vector_load %arg8[%get3A_132] {strides = array<i32>} : memref<2048xf32, #tpu.memory_space<vmem>>, vector<16xf32>,
          tpu.vector_store_idx %arg11[%add3A_131], %get3A_133 : memref<128xf32, #tpu.memory_space<vmem>>[vector<16xi32>], vector<16xf32>,
          %all_reduce_population_count3A = tpu.all_reduce %lt3A_115 {dim = 0 : i64, kind = #tpu.reduction_kind<sum>} : vector<16xi1> -> vector<16xi32>
          %slice3A = vector.extract_strided_slice %all_reduce_population_count3A {offsets = [0], sizes = [1], strides = [1]} : vector<16xi32> to vector<1xi32>
          %squeeze3A = vector.extract %slice3A[0] : i32 from vector<1xi32>
          %add3A_134 = arith.addi %cond3A_121, %squeeze3A : i32
          scf.yield %add3A_134 : i32
        }
        %scan3A_74 = arith.constant 128 : i32
        %add3A_75 = arith.constant 2 : i32
        %add3A_76 = arith.addi %add3A_61, %add3A_75 : i32
        %lt3A_77 = arith.constant 294 : i32
        %lt3A_78 = arith.cmpi slt, %add3A_76, %lt3A_77 : i32
        %convert_element_type3A_79 = arith.extui %lt3A_78 : i1 to i32
        %cond3A_80 = arith.constant 0 : i32
        %cond3A_81 = arith.cmpi ne, %convert_element_type3A_79, %cond3A_80 : i32
        scf.if %cond3A_81 {
          %add3A_107 = arith.constant 2 : i32
          %add3A_108 = arith.addi %add3A_61, %add3A_107 : i32
          %mul3A_109 = arith.constant 2048 : i32
          %mul3A_110 = arith.muli %add3A_108, %mul3A_109 : i32
          %add3A_111 = arith.addi %mul3A_0, %mul3A_110 : i32
          %dma_start3A_112 = tpu.memref_slice %arg2[%add3A_111] : memref<9633792xi32, #tpu.memory_space<hbm>> -> memref<2048xi32, #tpu.memory_space<hbm>>
          %dma_start3A_113 = tpu.memref_slice %arg2[%add3A_111] : memref<9633792xi32, #tpu.memory_space<hbm>> -> memref<2048xi32, #tpu.memory_space<hbm>>
          tpu.enqueue_dma source(%dma_start3A_113 : memref<2048xi32, #tpu.memory_space<hbm>>) target(%arg6 : memref<2048xi32, #tpu.memory_space<vmem>>) target_semaphore(%arg13 : memref<!tpu.dma_semaphore, #tpu.memory_space<semaphore_mem>>)
          %dma_start3A_114 = tpu.memref_slice %arg3[%add3A_111] : memref<9633792xf32, #tpu.memory_space<hbm>> -> memref<2048xf32, #tpu.memory_space<hbm>>
          %dma_start3A_115 = tpu.memref_slice %arg3[%add3A_111] : memref<9633792xf32, #tpu.memory_space<hbm>> -> memref<2048xf32, #tpu.memory_space<hbm>>
          tpu.enqueue_dma source(%dma_start3A_115 : memref<2048xf32, #tpu.memory_space<hbm>>) target(%arg8 : memref<2048xf32, #tpu.memory_space<vmem>>) target_semaphore(%arg15 : memref<!tpu.dma_semaphore, #tpu.memory_space<semaphore_mem>>)
        } else {
        }
        %mul3A_82 = arith.constant 2 : i32
        %mul3A_83 = arith.muli %mul3A_82, %scan3A_56 : i32
        %add3A_84 = arith.constant 1 : i32
        %add3A_85 = arith.addi %mul3A_83, %add3A_84 : i32
        %dma_wait3A_86 = arith.constant 0 : i32
        %dma_wait3A_87 = tpu.memref_slice %arg2[%dma_wait3A_86] : memref<9633792xi32, #tpu.memory_space<hbm>> -> memref<2048xi32, #tpu.memory_space<hbm>>
        %dma_wait3A_88 = arith.constant 0 : i32
        %dma_wait3A_89 = tpu.memref_slice %arg2[%dma_wait3A_88] : memref<9633792xi32, #tpu.memory_space<hbm>> -> memref<2048xi32, #tpu.memory_space<hbm>>
        tpu.wait_dma2 semaphore(%arg14 : memref<!tpu.dma_semaphore, #tpu.memory_space<semaphore_mem>>) src(%dma_wait3A_89 : memref<2048xi32, #tpu.memory_space<hbm>>) dst(%arg7 : memref<2048xi32, #tpu.memory_space<vmem>>)
        %dma_wait3A_90 = arith.constant 0 : i32
        %dma_wait3A_91 = tpu.memref_slice %arg3[%dma_wait3A_90] : memref<9633792xf32, #tpu.memory_space<hbm>> -> memref<2048xf32, #tpu.memory_space<hbm>>
        %dma_wait3A_92 = arith.constant 0 : i32
        %dma_wait3A_93 = tpu.memref_slice %arg3[%dma_wait3A_92] : memref<9633792xf32, #tpu.memory_space<hbm>> -> memref<2048xf32, #tpu.memory_space<hbm>>
        tpu.wait_dma2 semaphore(%arg16 : memref<!tpu.dma_semaphore, #tpu.memory_space<semaphore_mem>>) src(%dma_wait3A_93 : memref<2048xf32, #tpu.memory_space<hbm>>) dst(%arg9 : memref<2048xf32, #tpu.memory_space<vmem>>)
        %scan3A_94 = arith.constant 0 : i32
        %scan3A_95 = arith.constant 128 : i32
        %scan3A_96 = arith.addi %scan3A_94, %scan3A_95 : i32
        %scan3A_97 = arith.constant 1 : i32
        %scan3A_98 = scf.for %scan3A_107 = %scan3A_94 to %scan3A_96 step %scan3A_97 iter_args(%scan3A_108 = %scan3A_73) -> (i32)  : i32 {
          %mul3A_109 = arith.constant 16 : i32
          %mul3A_110 = arith.muli %scan3A_107, %mul3A_109 : i32
          %get3A = arith.index_cast %mul3A_110 : i32 to index
          %get3A_111 = tpu.vector_load %arg7[%get3A] {strides = array<i32>} : memref<2048xi32, #tpu.memory_space<vmem>>, vector<16xi32>,
          %sub3A = vector.broadcast %mul3A_13 : i32 to vector<16xi32>
          %sub3A_112 = arith.subi %get3A_111, %sub3A : vector<16xi32>
          %bitcast3A = vector.bitcast %sub3A_112 : vector<16xi32> to vector<16xi32>
          %lt3A_113 = arith.constant 1927168 : i32
          %lt3A_114 = vector.broadcast %lt3A_113 : i32 to vector<16xi32>
          %lt3A_115 = arith.cmpi ult, %bitcast3A, %lt3A_114 : vector<16xi32>
          %gt3A_116 = arith.constant 96 : i32
          %gt3A_117 = arith.cmpi sgt, %scan3A_108, %gt3A_116 : i32
          %convert_element_type3A_118 = arith.extui %gt3A_117 : i1 to i32
          %cond3A_119 = arith.constant 0 : i32
          %cond3A_120 = arith.cmpi ne, %convert_element_type3A_118, %cond3A_119 : i32
          %cond3A_121 = scf.if %cond3A_120 -> (i32) {
            %get3A_135 = arith.constant 96 : index
            %get3A_136 = tpu.vector_load %arg10[%get3A_135] {strides = array<i32>} : memref<128xi32, #tpu.memory_space<vmem>>, vector<16xi32>,
            %get3A_137 = arith.constant 96 : index
            %get3A_138 = tpu.vector_load %arg11[%get3A_137] {strides = array<i32>} : memref<128xf32, #tpu.memory_space<vmem>>, vector<16xf32>,
            %add3A_139 = arith.constant 96 : i32
            %add3A_140 = vector.broadcast %add3A_139 : i32 to vector<16xi32>
            %add3A_141 = arith.addi %add3A_140, %iota3A : vector<16xi32>
            %lt3A_142 = vector.broadcast %scan3A_108 : i32 to vector<16xi32>
            %lt3A_143 = arith.cmpi slt, %add3A_141, %lt3A_142 : vector<16xi32>
            %select_n3A_144 = arith.select %lt3A_143, %get3A_136, %add3A_2 : vector<16xi1>, vector<16xi32>
            %swap3A = arith.constant 96 : index
            %swap3A_145 = tpu.vector_load %arg10[%swap3A] {strides = array<i32>} : memref<128xi32, #tpu.memory_space<vmem>>, vector<16xi32>,
            tpu.vector_store %arg10[%swap3A], %select_n3A_144 {strides = array<i32>} : memref<128xi32, #tpu.memory_space<vmem>>, vector<16xi32>,
            %jit3A = arith.constant 0.000000e+00 : f32
            %broadcast_in_dim3A_146 = vector.broadcast %jit3A : f32 to vector<16xf32>
            %select_n3A_147 = arith.select %lt3A_143, %get3A_138, %broadcast_in_dim3A_146 : vector<16xi1>, vector<16xf32>
            %swap3A_148 = arith.constant 96 : index
            %swap3A_149 = tpu.vector_load %arg11[%swap3A_148] {strides = array<i32>} : memref<128xf32, #tpu.memory_space<vmem>>, vector<16xf32>,
            tpu.vector_store %arg11[%swap3A_148], %select_n3A_147 {strides = array<i32>} : memref<128xf32, #tpu.memory_space<vmem>>, vector<16xf32>,
            %get3A_150 = arith.constant 112 : index
            %get3A_151 = tpu.vector_load %arg10[%get3A_150] {strides = array<i32>} : memref<128xi32, #tpu.memory_space<vmem>>, vector<16xi32>,
            %get3A_152 = arith.constant 112 : index
            %get3A_153 = tpu.vector_load %arg11[%get3A_152] {strides = array<i32>} : memref<128xf32, #tpu.memory_space<vmem>>, vector<16xf32>,
            %add3A_154 = arith.constant 112 : i32
            %add3A_155 = vector.broadcast %add3A_154 : i32 to vector<16xi32>
            %add3A_156 = arith.addi %add3A_155, %iota3A : vector<16xi32>
            %lt3A_157 = vector.broadcast %scan3A_108 : i32 to vector<16xi32>
            %lt3A_158 = arith.cmpi slt, %add3A_156, %lt3A_157 : vector<16xi32>
            %select_n3A_159 = arith.select %lt3A_158, %get3A_151, %add3A_2 : vector<16xi1>, vector<16xi32>
            %swap3A_160 = arith.constant 112 : index
            %swap3A_161 = tpu.vector_load %arg10[%swap3A_160] {strides = array<i32>} : memref<128xi32, #tpu.memory_space<vmem>>, vector<16xi32>,
            tpu.vector_store %arg10[%swap3A_160], %select_n3A_159 {strides = array<i32>} : memref<128xi32, #tpu.memory_space<vmem>>, vector<16xi32>,
            %jit3A_162 = arith.constant 0.000000e+00 : f32
            %broadcast_in_dim3A_163 = vector.broadcast %jit3A_162 : f32 to vector<16xf32>
            %select_n3A_164 = arith.select %lt3A_158, %get3A_153, %broadcast_in_dim3A_163 : vector<16xi1>, vector<16xf32>
            %swap3A_165 = arith.constant 112 : index
            %swap3A_166 = tpu.vector_load %arg11[%swap3A_165] {strides = array<i32>} : memref<128xf32, #tpu.memory_space<vmem>>, vector<16xf32>,
            tpu.vector_store %arg11[%swap3A_165], %select_n3A_164 {strides = array<i32>} : memref<128xf32, #tpu.memory_space<vmem>>, vector<16xf32>,
            "tpu.region"() ({
              %run_scoped3A = tpu.sem_alloc : memref<!tpu.dma_semaphore, #tpu.memory_space<semaphore_mem>>
              %dma_start3A_168 = arith.constant 0 : i32
              %dma_start3A_169 = tpu.memref_slice %arg12[%dma_start3A_168] : memref<1927184xf32, #tpu.memory_space<vmem_shared>> -> memref<1927184xf32, #tpu.memory_space<vmem_shared>>
              tpu.enqueue_indirect_dma source(%arg11 : memref<128xf32, #tpu.memory_space<vmem>>) target(%dma_start3A_169 : memref<1927184xf32, #tpu.memory_space<vmem_shared>>) offsets(%arg10 : memref<128xi32, #tpu.memory_space<vmem>>) semaphore(%run_scoped3A : memref<!tpu.dma_semaphore, #tpu.memory_space<semaphore_mem>>) {add = true}
              %dma_wait3A_170 = arith.constant 0 : i32
              %dma_wait3A_171 = tpu.memref_slice %arg12[%dma_wait3A_170] : memref<1927184xf32, #tpu.memory_space<vmem_shared>> -> memref<1927184xf32, #tpu.memory_space<vmem_shared>>
              tpu.wait_indirect_dma semaphore(%run_scoped3A : memref<!tpu.dma_semaphore, #tpu.memory_space<semaphore_mem>>) src(%arg11 : memref<128xf32, #tpu.memory_space<vmem>>) dst(%dma_wait3A_171 : memref<1927184xf32, #tpu.memory_space<vmem_shared>>)
              tpu.yield
            }) : () -> ()
            %cond3A_167 = arith.constant 0 : i32
            scf.yield %cond3A_167 : i32
          } else {
            scf.yield %scan3A_108 : i32
          }
          %convert_element_type3A_122 = arith.extui %lt3A_115 : vector<16xi1> to vector<16xi32>
          %broadcast_in_dim3A = arith.constant true
          %broadcast_in_dim3A_123 = vector.broadcast %broadcast_in_dim3A : i1 to vector<16xi1>
          %masked_cumsum3A = tpu.scan <sum>, %convert_element_type3A_122 masked %broadcast_in_dim3A_123 : vector<16xi32>, vector<16xi1> -> vector<16xi32>
          %sub3A_124 = arith.constant 1 : i32
          %sub3A_125 = vector.broadcast %sub3A_124 : i32 to vector<16xi32>
          %sub3A_126 = arith.subi %masked_cumsum3A, %sub3A_125 : vector<16xi32>
          %add3A_127 = arith.constant 16 : i32
          %add3A_128 = vector.broadcast %add3A_127 : i32 to vector<16xi32>
          %add3A_129 = arith.addi %add3A_128, %iota3A : vector<16xi32>
          %select_n3A = arith.select %lt3A_115, %sub3A_126, %add3A_129 : vector<16xi1>, vector<16xi32>
          %add3A_130 = vector.broadcast %cond3A_121 : i32 to vector<16xi32>
          %add3A_131 = arith.addi %add3A_130, %select_n3A : vector<16xi32>
          tpu.vector_store_idx %arg10[%add3A_131], %sub3A_112 : memref<128xi32, #tpu.memory_space<vmem>>[vector<16xi32>], vector<16xi32>,
          %get3A_132 = arith.index_cast %mul3A_110 : i32 to index
          %get3A_133 = tpu.vector_load %arg9[%get3A_132] {strides = array<i32>} : memref<2048xf32, #tpu.memory_space<vmem>>, vector<16xf32>,
          tpu.vector_store_idx %arg11[%add3A_131], %get3A_133 : memref<128xf32, #tpu.memory_space<vmem>>[vector<16xi32>], vector<16xf32>,
          %all_reduce_population_count3A = tpu.all_reduce %lt3A_115 {dim = 0 : i64, kind = #tpu.reduction_kind<sum>} : vector<16xi1> -> vector<16xi32>
          %slice3A = vector.extract_strided_slice %all_reduce_population_count3A {offsets = [0], sizes = [1], strides = [1]} : vector<16xi32> to vector<1xi32>
          %squeeze3A = vector.extract %slice3A[0] : i32 from vector<1xi32>
          %add3A_134 = arith.addi %cond3A_121, %squeeze3A : i32
          scf.yield %add3A_134 : i32
        }
        %scan3A_99 = arith.constant 128 : i32
        %add3A_100 = arith.constant 2 : i32
        %add3A_101 = arith.addi %add3A_85, %add3A_100 : i32
        %lt3A_102 = arith.constant 294 : i32
        %lt3A_103 = arith.cmpi slt, %add3A_101, %lt3A_102 : i32
        %convert_element_type3A_104 = arith.extui %lt3A_103 : i1 to i32
        %cond3A_105 = arith.constant 0 : i32
        %cond3A_106 = arith.cmpi ne, %convert_element_type3A_104, %cond3A_105 : i32
        scf.if %cond3A_106 {
          %add3A_107 = arith.constant 2 : i32
          %add3A_108 = arith.addi %add3A_85, %add3A_107 : i32
          %mul3A_109 = arith.constant 2048 : i32
          %mul3A_110 = arith.muli %add3A_108, %mul3A_109 : i32
          %add3A_111 = arith.addi %mul3A_0, %mul3A_110 : i32
          %dma_start3A_112 = tpu.memref_slice %arg2[%add3A_111] : memref<9633792xi32, #tpu.memory_space<hbm>> -> memref<2048xi32, #tpu.memory_space<hbm>>
          %dma_start3A_113 = tpu.memref_slice %arg2[%add3A_111] : memref<9633792xi32, #tpu.memory_space<hbm>> -> memref<2048xi32, #tpu.memory_space<hbm>>
          tpu.enqueue_dma source(%dma_start3A_113 : memref<2048xi32, #tpu.memory_space<hbm>>) target(%arg7 : memref<2048xi32, #tpu.memory_space<vmem>>) target_semaphore(%arg14 : memref<!tpu.dma_semaphore, #tpu.memory_space<semaphore_mem>>)
          %dma_start3A_114 = tpu.memref_slice %arg3[%add3A_111] : memref<9633792xf32, #tpu.memory_space<hbm>> -> memref<2048xf32, #tpu.memory_space<hbm>>
          %dma_start3A_115 = tpu.memref_slice %arg3[%add3A_111] : memref<9633792xf32, #tpu.memory_space<hbm>> -> memref<2048xf32, #tpu.memory_space<hbm>>
          tpu.enqueue_dma source(%dma_start3A_115 : memref<2048xf32, #tpu.memory_space<hbm>>) target(%arg9 : memref<2048xf32, #tpu.memory_space<vmem>>) target_semaphore(%arg16 : memref<!tpu.dma_semaphore, #tpu.memory_space<semaphore_mem>>)
        } else {
        }
        scf.yield %scan3A_98 : i32
      }
      %scan3A_35 = arith.constant 147 : i32
      %scan3A_36 = arith.constant 0 : i32
      %scan3A_37 = arith.constant 8 : i32
      %scan3A_38 = arith.addi %scan3A_36, %scan3A_37 : i32
      %scan3A_39 = arith.constant 1 : i32
      scf.for %scan3A_56 = %scan3A_36 to %scan3A_38 step %scan3A_39  : i32 {
        %mul3A_57 = arith.constant 16 : i32
        %mul3A_58 = arith.muli %scan3A_56, %mul3A_57 : i32
        %get3A = arith.index_cast %mul3A_58 : i32 to index
        %get3A_59 = tpu.vector_load %arg10[%get3A] {strides = array<i32>} : memref<128xi32, #tpu.memory_space<vmem>>, vector<16xi32>,
        %get3A_60 = arith.index_cast %mul3A_58 : i32 to index
        %get3A_61 = tpu.vector_load %arg11[%get3A_60] {strides = array<i32>} : memref<128xf32, #tpu.memory_space<vmem>>, vector<16xf32>,
        %add3A_62 = vector.broadcast %mul3A_58 : i32 to vector<16xi32>
        %add3A_63 = arith.addi %add3A_62, %iota3A : vector<16xi32>
        %lt3A_64 = vector.broadcast %scan3A_34 : i32 to vector<16xi32>
        %lt3A_65 = arith.cmpi slt, %add3A_63, %lt3A_64 : vector<16xi32>
        %select_n3A = arith.select %lt3A_65, %get3A_59, %add3A_2 : vector<16xi1>, vector<16xi32>
        %swap3A = arith.index_cast %mul3A_58 : i32 to index
        %swap3A_66 = tpu.vector_load %arg10[%swap3A] {strides = array<i32>} : memref<128xi32, #tpu.memory_space<vmem>>, vector<16xi32>,
        tpu.vector_store %arg10[%swap3A], %select_n3A {strides = array<i32>} : memref<128xi32, #tpu.memory_space<vmem>>, vector<16xi32>,
        %jit3A = arith.constant 0.000000e+00 : f32
        %broadcast_in_dim3A = vector.broadcast %jit3A : f32 to vector<16xf32>
        %select_n3A_67 = arith.select %lt3A_65, %get3A_61, %broadcast_in_dim3A : vector<16xi1>, vector<16xf32>
        %swap3A_68 = arith.index_cast %mul3A_58 : i32 to index
        %swap3A_69 = tpu.vector_load %arg11[%swap3A_68] {strides = array<i32>} : memref<128xf32, #tpu.memory_space<vmem>>, vector<16xf32>,
        tpu.vector_store %arg11[%swap3A_68], %select_n3A_67 {strides = array<i32>} : memref<128xf32, #tpu.memory_space<vmem>>, vector<16xf32>,
      }
      %scan3A_40 = arith.constant 8 : i32
      "tpu.region"() ({
        %run_scoped3A = tpu.sem_alloc : memref<!tpu.dma_semaphore, #tpu.memory_space<semaphore_mem>>
        %dma_start3A_56 = arith.constant 0 : i32
        %dma_start3A_57 = tpu.memref_slice %arg12[%dma_start3A_56] : memref<1927184xf32, #tpu.memory_space<vmem_shared>> -> memref<1927184xf32, #tpu.memory_space<vmem_shared>>
        tpu.enqueue_indirect_dma source(%arg11 : memref<128xf32, #tpu.memory_space<vmem>>) target(%dma_start3A_57 : memref<1927184xf32, #tpu.memory_space<vmem_shared>>) offsets(%arg10 : memref<128xi32, #tpu.memory_space<vmem>>) semaphore(%run_scoped3A : memref<!tpu.dma_semaphore, #tpu.memory_space<semaphore_mem>>) {add = true}
        %dma_wait3A = arith.constant 0 : i32
        %dma_wait3A_58 = tpu.memref_slice %arg12[%dma_wait3A] : memref<1927184xf32, #tpu.memory_space<vmem_shared>> -> memref<1927184xf32, #tpu.memory_space<vmem_shared>>
        tpu.wait_indirect_dma semaphore(%run_scoped3A : memref<!tpu.dma_semaphore, #tpu.memory_space<semaphore_mem>>) src(%arg11 : memref<128xf32, #tpu.memory_space<vmem>>) dst(%dma_wait3A_58 : memref<1927184xf32, #tpu.memory_space<vmem_shared>>)
        tpu.yield
      }) : () -> ()
      %barrier3A_41 = arith.constant 0 : index
      tpu.barrier barrier_id(%barrier3A_41)
      %mul3A_42 = arith.constant 120448 : i32
      %mul3A_43 = arith.muli %arg1, %mul3A_42 : i32
      %add3A_44 = arith.addi %mul3A_13, %mul3A_43 : i32
      %add3A_45 = arith.constant 120448 : i32
      %add3A_46 = arith.addi %add3A_44, %add3A_45 : i32
      %le3A = arith.constant 38535168 : i32
      %le3A_47 = arith.cmpi sle, %add3A_46, %le3A : i32
      %convert_element_type3A = arith.extui %le3A_47 : i1 to i32
      %cond3A = arith.constant 0 : i32
      %cond3A_48 = arith.cmpi ne, %convert_element_type3A, %cond3A : i32
      scf.if %cond3A_48 {
        %mul3A_56 = arith.constant 120448 : i32
        %mul3A_57 = arith.muli %arg1, %mul3A_56 : i32
        "tpu.region"() ({
          %run_scoped3A = tpu.sem_alloc : memref<!tpu.dma_semaphore, #tpu.memory_space<semaphore_mem>>
          %dma_start3A_58 = tpu.memref_slice %arg5[%add3A_44] : memref<38535168xf32, #tpu.memory_space<hbm>> -> memref<120448xf32, #tpu.memory_space<hbm>>
          %dma_start3A_59 = tpu.memref_slice %arg12[%mul3A_57] : memref<1927184xf32, #tpu.memory_space<vmem_shared>> -> memref<120448xf32, #tpu.memory_space<vmem_shared>>
          tpu.enqueue_dma source(%dma_start3A_59 : memref<120448xf32, #tpu.memory_space<vmem_shared>>) target(%dma_start3A_58 : memref<120448xf32, #tpu.memory_space<hbm>>) target_semaphore(%run_scoped3A : memref<!tpu.dma_semaphore, #tpu.memory_space<semaphore_mem>>)
          %dma_wait3A = tpu.memref_slice %arg5[%add3A_44] : memref<38535168xf32, #tpu.memory_space<hbm>> -> memref<120448xf32, #tpu.memory_space<hbm>>
          %dma_wait3A_60 = tpu.memref_slice %arg12[%mul3A_57] : memref<1927184xf32, #tpu.memory_space<vmem_shared>> -> memref<120448xf32, #tpu.memory_space<vmem_shared>>
          tpu.wait_dma2 semaphore(%run_scoped3A : memref<!tpu.dma_semaphore, #tpu.memory_space<semaphore_mem>>) src(%dma_wait3A_60 : memref<120448xf32, #tpu.memory_space<vmem_shared>>) dst(%dma_wait3A : memref<120448xf32, #tpu.memory_space<hbm>>)
          tpu.yield
        }) : () -> ()
      } else {
      }
      %lt3A = arith.constant 38535168 : i32
      %lt3A_49 = arith.cmpi slt, %add3A_44, %lt3A : i32
      %add3A_50 = arith.constant 120448 : i32
      %add3A_51 = arith.addi %add3A_44, %add3A_50 : i32
      %gt3A = arith.constant 38535168 : i32
      %gt3A_52 = arith.cmpi sgt, %add3A_51, %gt3A : i32
      %and3A = arith.andi %lt3A_49, %gt3A_52 : i1
      %convert_element_type3A_53 = arith.extui %and3A : i1 to i32
      %cond3A_54 = arith.constant 0 : i32
      %cond3A_55 = arith.cmpi ne, %convert_element_type3A_53, %cond3A_54 : i32
      scf.if %cond3A_55 {
        %mul3A_56 = arith.constant 120448 : i32
        %mul3A_57 = arith.muli %arg1, %mul3A_56 : i32
        "tpu.region"() ({
          %run_scoped3A = tpu.sem_alloc : memref<!tpu.dma_semaphore, #tpu.memory_space<semaphore_mem>>
          %dma_start3A_58 = tpu.memref_slice %arg5[%add3A_44] : memref<38535168xf32, #tpu.memory_space<hbm>> -> memref<112256xf32, #tpu.memory_space<hbm>>
          %dma_start3A_59 = tpu.memref_slice %arg12[%mul3A_57] : memref<1927184xf32, #tpu.memory_space<vmem_shared>> -> memref<112256xf32, #tpu.memory_space<vmem_shared>>
          tpu.enqueue_dma source(%dma_start3A_59 : memref<112256xf32, #tpu.memory_space<vmem_shared>>) target(%dma_start3A_58 : memref<112256xf32, #tpu.memory_space<hbm>>) target_semaphore(%run_scoped3A : memref<!tpu.dma_semaphore, #tpu.memory_space<semaphore_mem>>)
          %dma_wait3A = tpu.memref_slice %arg5[%add3A_44] : memref<38535168xf32, #tpu.memory_space<hbm>> -> memref<112256xf32, #tpu.memory_space<hbm>>
          %dma_wait3A_60 = tpu.memref_slice %arg12[%mul3A_57] : memref<1927184xf32, #tpu.memory_space<vmem_shared>> -> memref<112256xf32, #tpu.memory_space<vmem_shared>>
          tpu.wait_dma2 semaphore(%run_scoped3A : memref<!tpu.dma_semaphore, #tpu.memory_space<semaphore_mem>>) src(%dma_wait3A_60 : memref<112256xf32, #tpu.memory_space<vmem_shared>>) dst(%dma_wait3A : memref<112256xf32, #tpu.memory_space<hbm>>)
          tpu.yield
        }) : () -> ()
      } else {
      }
    }
    %scan3A_7 = arith.constant 10 : i32
    return
  }
}

</mosaic_0001>

<sc_bundles>
// kernel: kernel.3.cloned.1.call-start
scs
__scs_entry_jumppad:
0x0: {  	(pc) =	sbr.rel $0x88, $3  }
0x1: {  	(tag) =	ssettag $0x0;
	lr =	simm.s32 $0x1  }
0x2: {  	[smem:$0x3F9F] =	sst lr;
	_ =	strace $0xD0000000  }
0x3: {  	_ = 	snop  }
0x4: {  	_ = 	snop  }
0x5: {  	_ = 	snop  }
0x6: {  	_ = 	snop  }
0x7: {  	_ = 	snop  }
__scs_overlays_trampoline_lowered:
0x8: {  	[smem:$0x3FAE] =	sst s0  }
0x9: {  	[smem:$0x3FAF] =	sst s1  }
0xa: {  	[smem:$0x3FB0] =	sst s2  }
0xb: {  	[smem:$0x3FB1] =	sst s3  }
0xc: {  	[smem:$0x3FB2] =	sst s4  }
0xd: {  	[smem:$0x3FB3] =	sst s5  }
0xe: {  	[smem:$0x3FB4] =	sst s6  }
0xf: {  	[smem:$0x3FB5] =	sst s7  }
0x10: {  	[smem:$0x3FB6] =	sst s8  }
0x11: {  	[smem:$0x3FB7] =	sst s9;
	s0 =	simm.s32 @!p0 $0x0  }
0x12: {  	s1 =	sld [smem:$0x3F9D];
	s0 =	simm.s32 @p0 $0x1  }
0x13: {  	[smem:$0x3FB8] =	sst s0;
	s0 =	simm.s32 @!p1 $0x0  }
0x14: {  	s2 =	sld [smem:$0x3F9C];
	s0 =	simm.s32 @p1 $0x1  }
0x15: {  	[smem:$0x3FB9] =	sst s0;
	s0 =	simm.s32 @!p2 $0x0  }
0x16: {  	s3 =	sld [smem:$0x3FDB];
	s0 =	simm.s32 @p2 $0x1  }
0x17: {  	s4 =	simm.s32 $0x1BF5;
	[smem:$0x3FBB] =	sst s0  }
0x18: {  	s0 =	sld [smem:$0x3F9E];
	_ =	swait.ge [sflag:s4], $0x0  }
0x19: {  	s7 =	sld [smem:$0x3F9F]  }
0x1a: {  	s8 =	sadd.s32 $0xFFFFE003, lr  }
0x1b: {  	s9 =	sadd.s32 $0xFFFFFEF7, lr;
	s5 =	simm.s32 $0xFFFFFFFF;
	p2 =	slt.u32 s8, $0xFFFFF086  }
0x1c: {  	p1 =	slt.u32 s9, $0xF7A;
	s5 =	simm.s32 @!p2 $0x0  }
0x1d: {  	s5 =	simm.s32 @p1 $0x1;
	p0 =	seq.s32 s7, s2  }
0x1e: {  	s7 =	smul.u32 @!p0 $0xF7A, s2;
	p2 =	seq.s32 @!p0 s5, $0x0  }
0x1f: {  	s9 =	smul.u32 $0xF7A, s1;
	s8 =	simm.s32 @!p0 $0x1BF5;
	p2 =	por !p2, p0  }
0x20: {  	[sflag:s8] =	ssyncset.s32 @!p0 $0xFFFFF086;
	s6 =	sadd.s32 @!p0 s3, s7;
	s7 =	simm.s32 @!p0 $0x108  }
0x21: {  	s3 =	sadd.s32 s3, s9;
	s6 =	sadd.s32 @!p0 $0x88, s6;
	s7 =	simm.s32 @p2 $0x1082  }
0x22: {  	[simem:s7], [sflag:s8] =	dma.local @!p0 [hbm:s6], $0xF7A  }
0x23: {  	s9 =	sor.u32 $0xD0000000, s2;
	s6 =	simm.s32 $0x108;
	_ =	swait.ge @!p0 [sflag:s8], $0x0  }
0x24: {  	s3 =	sadd.s32 $0x88, s3;
	s6 =	simm.s32 @!p1 $0x1082;
	[sflag:s4] =	ssyncset.s32 $0xFFFFF086  }
0x25: {  	[simem:s6], [sflag:s4] =	dma.local [hbm:s3], $0xF7A  }
0x26: {  	[smem:$0x3F9F] =	sst s1;
	(tag) =	ssettag s2;
	_ =	strace s9  }
0x27: {  	s1 =	sld [smem:$0x3FAF]  }
0x28: {  	s2 =	sld [smem:$0x3FB0]  }
0x29: {  	s4 =	sld [smem:$0x3FB2]  }
0x2a: {  	p0 =	seq.s32 s5, $0x0;
	s5 =	sld [smem:$0x3FB3]  }
0x2b: {  	s6 =	sld [smem:$0x3FB4]  }
0x2c: {  	s7 =	sld [smem:$0x3FB5]  }
0x2d: {  	s3 =	simm.s32 $0x108;
	s8 =	sld [smem:$0x3FB6]  }
0x2e: {  	s3 =	simm.s32 @!p0 $0x1082;
	s9 =	sld [smem:$0x3FB7]  }
0x2f: {  	lr =	sadd.s32 s0, s3;
	s0 =	sld [smem:$0x3FAE]  }
0x30: {  	s3 =	sld [smem:$0x3FB1]  }
0x31: {  	[smem:$0x3FBA] =	sst s10  }
0x32: {  	s10 =	sld [smem:$0x3FB8];
	_ =	sdelay $0x3  }
0x33: {  	p0 =	seq.s32 s10, $0x1;
	s10 =	sld [smem:$0x3FBA];
	_ =	sdelay $0x3  }
0x34: {  	[smem:$0x3FBA] =	sst s10  }
0x35: {  	s10 =	sld [smem:$0x3FB9];
	_ =	sdelay $0x3  }
0x36: {  	p1 =	seq.s32 s10, $0x1;
	s10 =	sld [smem:$0x3FBA];
	_ =	sdelay $0x3  }
0x37: {  	[smem:$0x3FBA] =	sst s10  }
0x38: {  	s10 =	sld [smem:$0x3FBB]  }
0x39: {  	_ = 	snop;
	(pc) =	sbr.ind lr, $3  }
0x3a: {  	_ = 	snop  }
0x3b: {  	_ = 	snop  }
0x3c: {  	p2 =	seq.s32 s10, $0x1;
	s10 =	sld [smem:$0x3FBA]  }
0x3d: {  	_ =	shalt  }
0x3e: {  	_ =	shalt  }
0x3f: {  	_ =	shalt  }
0x40: {  	_ =	shalt  }
0x41: {  	_ =	shalt  }
0x42: {  	_ =	shalt  }
0x43: {  	_ =	shalt  }
0x44: {  	_ =	shalt  }
0x45: {  	_ =	shalt  }
0x46: {  	_ =	shalt  }
0x47: {  	_ =	shalt  }
0x48: {  	_ =	shalt  }
0x49: {  	_ =	shalt  }
0x4a: {  	_ =	shalt  }
0x4b: {  	_ =	shalt  }
0x4c: {  	_ =	shalt  }
0x4d: {  	_ =	shalt  }
0x4e: {  	_ =	shalt  }
0x4f: {  	_ =	shalt  }
0x50: {  	_ =	shalt  }
0x51: {  	_ =	shalt  }
0x52: {  	_ =	shalt  }
0x53: {  	_ =	shalt  }
0x54: {  	_ =	shalt  }
0x55: {  	_ =	shalt  }
0x56: {  	_ =	shalt  }
0x57: {  	_ =	shalt  }
0x58: {  	_ =	shalt  }
0x59: {  	_ =	shalt  }
0x5a: {  	_ =	shalt  }
0x5b: {  	_ =	shalt  }
0x5c: {  	_ =	shalt  }
0x5d: {  	_ =	shalt  }
0x5e: {  	_ =	shalt  }
0x5f: {  	_ =	shalt  }
0x60: {  	_ =	shalt  }
0x61: {  	_ =	shalt  }
0x62: {  	_ =	shalt  }
0x63: {  	_ =	shalt  }
0x64: {  	_ =	shalt  }
0x65: {  	_ =	shalt  }
0x66: {  	_ =	shalt  }
0x67: {  	_ =	shalt  }
0x68: {  	_ =	shalt  }
0x69: {  	_ =	shalt  }
0x6a: {  	_ =	shalt  }
0x6b: {  	_ =	shalt  }
0x6c: {  	_ =	shalt  }
0x6d: {  	_ =	shalt  }
0x6e: {  	_ =	shalt  }
0x6f: {  	_ =	shalt  }
0x70: {  	_ =	shalt  }
0x71: {  	_ =	shalt  }
0x72: {  	_ =	shalt  }
0x73: {  	_ =	shalt  }
0x74: {  	_ =	shalt  }
0x75: {  	_ =	shalt  }
0x76: {  	_ =	shalt  }
0x77: {  	_ =	shalt  }
0x78: {  	_ =	shalt  }
0x79: {  	_ =	shalt  }
0x7a: {  	_ =	shalt  }
0x7b: {  	_ =	shalt  }
0x7c: {  	_ =	shalt  }
0x7d: {  	_ =	shalt  }
0x7e: {  	_ =	shalt  }
0x7f: {  	_ =	shalt  }
0x80: {  	_ =	shalt  }
0x81: {  	_ =	shalt  }
0x82: {  	_ =	shalt  }
0x83: {  	_ =	shalt  }
0x84: {  	_ =	shalt  }
0x85: {  	_ =	shalt  }
0x86: {  	_ =	shalt  }
0x87: {  	_ =	shalt  }
.Lfunc_end0:
.L_simem_size_0:
called_computation.1_lowered:
.L_overlay_start_0:
0x88: {  	s2 =	sld [smem:$0x3FD9]  }
0x89: {  	s3 =	sld [smem:$0x3FFE];
	_ =	sdelay $0x1  }
0x8a: {  	s1 =	srdreg.scid  }
0x8b: {  	s0 =	sand.u32 $0x1, s1  }
0x8c: {  	s17 =	sshll.u32 s0, $0xA;
	s2 =	sadd.s32 s3, s2  }
0x8d: {  	s2 =	sadd.s32 s2, s17  }
0x8e: {  	[smem:$0x3FC6] =	sst s2  }
0x8f: {  	_ = 	snop  }
0x90: {  	s2 =	sld [smem:$0x3FD0];
	(tm) =	ssettm $0x1  }
0x91: {  	s18 =	sld [smem:$0x3FFB];
	_ =	sdelay $0x3  }
0x92: {  	_ =	strace s18  }
0x93: {  	s3 =	sld [smem:$0x3FFC];
	_ =	sdelay $0x3  }
0x94: {  	_ =	strace s3  }
0x95: {  	s3 =	sld [smem:$0x3FFD];
	_ =	sdelay $0x3  }
0x96: {  	_ =	strace s3  }
0x97: {  	_ =	strace $0x8FFFFFFF  }
0x98: {  	s19 =	sld [smem:$0x3FDB];
	_ =	sdelay $0x1  }
0x99: {  	s4 =	simm.s32 $_scs_section_size  }
0x9a: {  	s5 =	simm.s32 $_size__tile_overlayer_lowered;
	s6 =	simm.s32 $_tile_overlayer_lowered  }
0x9b: {  	s22 =	simm.s32 $0x1BFF;
	s21 =	sshll.u32 s6, $0x1;
	s3 =	sadd.s32 s4, s19  }
0x9c: {  	s7 =	simm.s32 $0x0;
	s20 =	sshll.u32 s5, $0x1;
	s5 =	sadd.s32 s21, s3  }
0x9d: {  	[timem:s7], [sflag:s22] =	dma.local [hbm:s5], s20  }
0x9e: {  	_ =	swait.ge [sflag:s22], s20  }
0x9f: {  	s4 =	ssub.s32 $0x0, s20;
	[sflag:s22] =	ssyncset.done $0x0  }
0xa0: {  	[sflag:s22] =	ssyncadd.s32 s4;
	_ =	sdelay $0x1  }
0xa1: {  	s23 =	simm.s32 $0x1B8B  }
0xa2: {  	_ =	swait.ge [sflag:s23], $0x1  }
0xa3: {  	[sflag:s23] =	ssyncset.done $0x0  }
0xa4: {  	s25 =	simm.s32 $0x1B8E;
	s24 =	sld [smem:$0x3FFE];
	[sflag:s23] =	ssyncadd.s32 $0xFFFFFFFF  }
0xa5: {  	s26 =	simm.s32 $execute0_lowered;
	[smem:$0x3FD2] =	sst s25  }
0xa6: {  	s5 =	sshll.u32 s26, $0x1;
	_ =	strace $0x80000046;
	[dreg:$0x1] =	wrdreg $0xFFFFFFFF  }
0xa7: {  	s28 =	simm.s32 $_size_execute0_lowered;
	s3 =	sadd.s32 s3, s5;
	[dreg:$0x0] =	wrdreg $0x0  }
0xa8: {  	s5 =	sshll.u32 s28, $0x1;
	[dreg:$0x2] =	wrdreg s3  }
0xa9: {  	[dreg:$0x3] =	wrdreg s5  }
0xaa: {  	[dreg:$0x4] =	wrdreg $0xC0  }
0xab: {  	_ =	task [dreg:s7], $0x5FFFF  }
0xac: {  	[dreg:$0x1] =	wrdreg $0xFFFFFFFF  }
0xad: {  	[dreg:$0x0] =	wrdreg $0x60  }
0xae: {  	[dreg:$0x2] =	wrdreg s24  }
0xaf: {  	[dreg:$0x3] =	wrdreg s2  }
0xb0: {  	[dreg:$0x4] =	wrdreg $0x21000  }
0xb1: {  	[dreg:$0x5] =	wrdreg $0x9  }
0xb2: {  	_ =	task.clear_ibuf [dreg:s7], $0x6FFFF;
	_ =	strace $0x90000046  }
0xb3: {  	s29 =	simm.s32 $0x9;
	_ =	strace $0x80000048  }
0xb4: {  	_ =	swait.ge [sflag:s29], $0x1  }
0xb5: {  	[sflag:s29] =	ssyncadd.s32 $0xFFFFFFFF  }
0xb6: {  	_ =	strace $0x90000048  }
0xb7: {  	_ =	sfence  }
0xb8: {  	s30 =	sld [smem:$0x0];
	_ =	sdelay $0x2  }
0xb9: {  	s31 =	sshll.u32 s1, $0xD;
	s1 =	sshrl.u32 s1, $0x2  }
0xba: {  	s3 =	sand.u32 $0x4000, s31;
	s1 =	sadd.s32 s1, s30  }
0xbb: {  	s0 =	sor.u32 s3, s0;
	s1 =	sshll.u32 s1, $0x11  }
0xbc: {  	s0 =	sor.u32 s1, s0  }
0xbd: {  	s0 =	sadd.s32 $0x8F2B, s0  }
0xbe: {  	[sflag:s0] =	ssyncadd.remote.s32 $0x1  }
0xbf: {  	_ =	sfence.sel $0xFFFF  }
0xc0: {  	[dreg:$0x0] =	wrdreg $0xFFFFFFFF;
	(pc) =	sbr.abs _section_cstart, $3  }
0xc1: {  	[dreg:$0x1] =	wrdreg $0xFFFFFFFF  }
0xc2: {  	_ =	task.clear_ibuf [dreg:s7], $0x2FFFF;
	_ =	strace $0x9FFFFFFF  }
0xc3: {  	(tm) =	ssettm $0x7FFFFFFF  }
tec
execute0_lowered:
.L_overlay_start_1:
0x0: {  	(tag) =	ssettag $0x1  }
0x1: {  	s0 =	rddreg [dreg:$0x0]  }
0x2: {  	s3 =	rddreg [dreg:$0x2];
	s4 =	simm.s32 $0x0  }
0x3: {  	s7 =	stileid.u32;
	s1 =	srdreg.scid;
	s28 =	simm.s32 $0x2080  }
0x4: {  	s29 =	simm.s32 $0x2;
	s30 =	simm.s32 $0x4;
	[smem:$0x7FF] =	sst s4  }
0x5: {  	s9 =	smul.u32 $0x1D680, s7;
	s6 =	sadd.s32 $0x126800, s0;
	s2 =	sand.u32 $0x1, s1  }
0x6: {  	s8 =	sadd.s32 $0x800, s0;
	s5 =	smul.u32 $0x93000, s7;
	s22 =	sshll.u32 s7, $0x6  }
0x7: {  	_ =	strace $0x80000047;
	[dreg:$0x5] =	wrdreg s2;
	s2 =	ssub.s32 $0x2, s2  }
0x8: {  	s11 =	sor.u32 $0x1C06, s22;
	s22 =	simm.s32 $0x800;
	s20 =	sshrl.u32 s9, $0x3  }
0x9: {  	s21 =	sshrl.u32 s2, $0x1;
	[dreg:$0x4] =	wrdreg s9;
	s9 =	sadd.s32 s9, s3  }
0xa: {  	s23 =	sshrl.u32 s5, $0x3;
	s16 =	sadd.s32 $0x1000, s5;
	s17 =	sadd.s32 $0x1800, s5  }
0xb: {  	s0 =	sadd.s32 s20, s0;
	s1 =	ssub.s32 s2, s21;
	s24 =	sadd.s32 s6, s23  }
0xc: {  	s25 =	sadd.s32 s8, s23;
	s19 =	sshrl.u32 s9, $0x3;
	[dreg:$0x7] =	wrdreg s24  }
0xd: {  	s20 =	simm.s32 $0x6;
	s0 =	sadd.s32 $0x24C800, s0;
	[dreg:$0x8] =	wrdreg s25  }
0xe: {  	s31 =	smax.u32 s1, $0x1;
	s24 =	simm.s32 $0x1;
	s25 =	simm.s32 $0x3  }
0xf: {  	s1 =	simm.s32 $0x0;
	[dreg:$0x6] =	wrdreg s0;
	s0 =	sor.u32 $0x100, s23  }
0x10: {  	v0 =	vlaneseq.u32;
	[dreg:$0xa] =	wrdreg s31;
	s23 =	simm.s32 $0x1800;
	s26 =	sadd.s32 s6, s0  }
0x11: {  	v1 =	vimm.s32 $0x0;
	v2 =	vor.u32 $0x10, v0;
	v3 =	vor.u32 $0x1D6800, v0;
	s15 =	sadd.s32 s8, s0;
	[dreg:$0x9] =	wrdreg s26;
	s26 =	simm.s32 $0x2000  }
.LBB2_1:
0x12: {  	[dreg:$0xb] =	wrdreg s1;
	s18 =	simm.s32 $0x0  }
.LBB2_2:
0x13: {  	s0 =	rddreg [dreg:$0x6]  }
0x14: {  	[spmem:s19], [sflag:s11] =	dma.local [hbm:s0], $0x3AD0  }
0x15: {  	_ =	swait.ge [sflag:s20], $0x3AD0  }
0x16: {  	[sflag:s20] =	ssyncset.done $0x0  }
0x17: {  	[sflag:s20] =	ssyncadd.s32 $0xFFFFC530  }
0x18: {  	[bflag:$0x0] =	sbarrier.arrive $0xFFFF  }
0x19: {  	s13 =	rddreg [dreg:$0x7]  }
0x1a: {  	s5 =	simm.s32 $0x0;
	s14 =	sshll.u32 s18, $0x1;
	s21 =	rddreg [dreg:$0x5]  }
0x1b: {  	[tilespmem:s5], [sflag:$0x1] =	stream.linear.gather [hbm4b:s13+s5], $0x800, $0x38;
	[tilespmem:$0x1F788] =	vst v63  }
0x1c: {  	s2 =	simm.s32 $0x1000;
	s1 =	rddreg [dreg:$0x8];
	s0 =	sor.u32 s21, s14  }
0x1d: {  	[tilespmem:s2], [sflag:$0x3] =	stream.linear.gather [hbm4b:s1+s5], $0x800, $0x38;
	[tilespmem:$0x1F788] =	vst v63  }
0x1e: {  	s31 =	rddreg [dreg:$0x9];
	s0 =	smul.u32 $0x1D6800, s0  }
0x1f: {  	[tilespmem:s22], [sflag:$0x2] =	stream.linear.gather [hbm4b:s31+s5], $0x800, $0x38;
	[tilespmem:$0x1F788] =	vst v63  }
0x20: {  	s2 =	simm.s32 $0x0  }
0x21: {  	v4 =	vmov s0;
	[tilespmem:s23], [sflag:$0x4] =	stream.linear.gather [hbm4b:s15+s5], $0x800, $0x38;
	[tilespmem:$0x1F788] =	vst v63  }
.LBB2_3:
0x22: {  	_ =	swait.ge [sflag:s24], $0x800  }
0x23: {  	[sflag:s24] =	ssyncset.done $0x0  }
0x24: {  	[sflag:s24] =	ssyncadd.s32 $0xFFFFF800  }
0x25: {  	_ =	swait.ge [sflag:s25], $0x800  }
0x26: {  	[sflag:s25] =	ssyncset.done $0x0  }
0x27: {  	s7 =	simm.s32 $0x0;
	[sflag:s25] =	ssyncadd.s32 $0xFFFFF800  }
0x28: {  	v5 =	vld [tilespmem:s7+$0x0];
	_ =	sdelay $0x4  }
0x29: {  	v6 =	vsub.s32 v5, v4  }
0x2a: {  	vm0 =	vlt.u32 v6, $0x1D6800  }
0x2b: {  	v5 =	vmpcnt.ones.xlane vm0  }
0x2c: {  	p0 =	slt.s32 s5, $0x61  }
0x2d: {  	(v2sf) =	vpush v5, $0x0;
	v5 =	vld @!p0 [tilespmem:$0x20E0]  }
0x2e: {  	v7 =	vsel vm0, $0x1, v1  }
0x2f: {  	v8 =	vlaneseq.u32 @!p0;
	(xrf0) =	vadd.scan.msk.s32 $0xffff, v7  }
0x30: {  	v10 =	vmov @!p0 s5;
	v11 =	vor.u32 @!p0 $0x60, v8;
	v9 =	vld @!p0 [tilespmem:$0x2070]  }
0x31: {  	vm1 =	vgt.s32 @!p0 v10, v11;
	v7 =	vld @!p0 [tilespmem:$0x2060]  }
0x32: {  	v12 =	vld @!p0 [tilespmem:$0x20F0];
	v5 =	vnsel @!p0 vm1, $0x0, v5  }
0x33: {  	v11 =	vor.u32 @!p0 $0x1D6800, v8;
	v8 =	vor.u32 @!p0 $0x70, v8  }
0x34: {  	vm2 =	vgt.s32 @!p0 v10, v8  }
0x35: {  	v8 =	vsel @!p0 vm2, v9, v11;
	[tilespmem:$0x20E0] =	vst @!p0 v5;
	v5, _, _ =	vpop (xrf0)  }
0x36: {  	p1 =	sgt.s32 s5, $0x60;
	[tilespmem:$0x2070] =	vst @!p0 v8;
	v7 =	vsel @!p0 vm1, v7, v11;
	v5 =	vadd.s32 $0xFFFFFFFF, v5  }
0x37: {  	s1 =	simm.s32 @!p0 $0x6;
	s5 =	simm.s32 @p1 $0x0;
	[tilespmem:$0x2060] =	vst @!p0 v7;
	v7 =	vnsel @!p0 vm2, $0x0, v12;
	v5 =	vsel vm0, v5, v2  }
0x38: {  	s21 =	simm.s32 @!p0 $0x80;
	s31 =	simm.s32 @!p0 $0x2000;
	s10 =	simm.s32 @!p0 $0x2080;
	[tilespmem:$0x20F0] =	vst @!p0 v7;
	v5 =	vadd.s32 s5, v5  }
0x39: {  	[spmem:s3] =	stream.indirect.scatter.add.f32 @!p0 [tilespmem:s10], [sflag:$0x6], $0x1, s31, s21, $0xb8;
	[tilespmem:$0x1F788] =	vst v63  }
0x3a: {  	_ =	swait.ge @!p0 [sflag:s1], $0x80  }
0x3b: {  	[sflag:s1] =	ssyncset.done @!p0 $0x0  }
0x3c: {  	[sflag:s1] =	ssyncadd.s32 @!p0 $0xFFFFFF80  }
0x3d: {  	[tilespmem:v5+s26+$0x0] =	vst.idx.msk $0xffff, v6  }
0x3e: {  	v6 =	vld [tilespmem:s7+$0x1000]  }
0x3f: {  	s14 =	spop (v2sf)  }
0x40: {  	s21 =	simm.s32 $0x40;
	s1 =	simm.s32 $0x80;
	s31 =	sadd.s32 s5, s14  }
.LBB2_4:
0x41: {  	s5 =	sshra.s32 s21, $0x2;
	s21 =	smov.u32 s1;
	s1 =	sadd.s32 $0x40, s1  }
0x42: {  	p0 =	sne.s32 s1, $0x2000  }
0x43: {  	[tilespmem:v5+s28+$0x0] =	vst.idx.msk $0xffff, v6  }
0x44: {  	v5 =	vld [tilespmem:s5+$0x0];
	_ =	sdelay $0x1  }
0x45: {  	p1 =	slt.s32 s31, $0x61  }
0x46: {  	v7 =	vlaneseq.u32 @!p1;
	v6 =	vmov @!p1 s31;
	v8 =	vld @!p1 [tilespmem:$0x2070]  }
0x47: {  	v10 =	vor.u32 @!p1 $0x60, v7;
	v11 =	vor.u32 @!p1 $0x1D6800, v7;
	v7 =	vor.u32 @!p1 $0x70, v7;
	v9 =	vld @!p1 [tilespmem:$0x20E0]  }
0x48: {  	vm1 =	vgt.s32 @!p1 v6, v10;
	vm2 =	vgt.s32 @!p1 v6, v7;
	v12 =	vsub.s32 v5, v4;
	v5 =	vld @!p1 [tilespmem:$0x2060]  }
0x49: {  	v6 =	vld @!p1 [tilespmem:$0x20F0];
	vm0 =	vlt.u32 v12, $0x1D6800  }
0x4a: {  	v7 =	vsel vm0, $0x1, v1;
	v10 =	vmpcnt.ones.xlane vm0  }
0x4b: {  	(xrf0) =	vadd.scan.msk.s32 $0xffff, v7  }
0x4c: {  	v7 =	vnsel @!p1 vm1, $0x0, v9;
	(v2sf) =	vpush v10, $0x0  }
0x4d: {  	v5 =	vsel @!p1 vm1, v5, v11;
	[tilespmem:$0x20E0] =	vst @!p1 v7;
	v7 =	vsel @!p1 vm2, v8, v11  }
0x4e: {  	[tilespmem:$0x2060] =	vst @!p1 v5;
	v5 =	vnsel @!p1 vm2, $0x0, v6  }
0x4f: {  	s7 =	simm.s32 @!p1 $0x6;
	[tilespmem:$0x2070] =	vst @!p1 v7  }
0x50: {  	s10 =	simm.s32 @!p1 $0x80;
	s12 =	simm.s32 @!p1 $0x2000;
	s13 =	simm.s32 @!p1 $0x2080;
	[tilespmem:$0x20F0] =	vst @!p1 v5  }
0x51: {  	[spmem:s3] =	stream.indirect.scatter.add.f32 @!p1 [tilespmem:s13], [sflag:$0x6], $0x1, s12, s10, $0xb8;
	v5, _, _ =	vpop (xrf0);
	[tilespmem:$0x1F788] =	vst v63  }
0x52: {  	p2 =	sgt.s32 s31, $0x60;
	_ =	swait.ge @!p1 [sflag:s7], $0x80;
	v5 =	vadd.s32 $0xFFFFFFFF, v5  }
0x53: {  	s31 =	simm.s32 @p2 $0x0;
	v5 =	vsel vm0, v5, v2  }
0x54: {  	v5 =	vadd.s32 s31, v5;
	_ =	sdelay $0x2  }
0x55: {  	[sflag:s7] =	ssyncset.done @!p1 $0x0  }
.Ltmp0:
0x56: {  	[sflag:s7] =	ssyncadd.s32 @!p1 $0xFFFFFF80;
	(pc) =	sbr.rel @p0 .LBB2_4-.Ltmp0, $4  }
0x57: {  	[tilespmem:v5+s26+$0x0] =	vst.idx.msk $0xffff, v12  }
0x58: {  	v6 =	vld [tilespmem:s5+$0x1000]  }
0x59: {  	s5 =	spop (v2sf)  }
0x5a: {  	s31 =	sadd.s32 s31, s5  }
0x5b: {  	_ =	sdelay $0x3  }
0x5c: {  	s1 =	sshra.s32 s21, $0x2;
	[tilespmem:v5+s28+$0x0] =	vst.idx.msk $0xffff, v6  }
0x5d: {  	v5 =	vld [tilespmem:s1+$0x0];
	_ =	sdelay $0x4  }
0x5e: {  	p0 =	slt.s32 s31, $0x61;
	v5 =	vsub.s32 v5, v4  }
0x5f: {  	v7 =	vld @!p0 [tilespmem:$0x20E0];
	vm0 =	vlt.u32 v5, $0x1D6800  }
0x60: {  	v6 =	vsel vm0, $0x1, v1  }
0x61: {  	v8 =	vlaneseq.u32 @!p0;
	(xrf0) =	vadd.scan.msk.s32 $0xffff, v6  }
0x62: {  	v10 =	vmov @!p0 s31;
	v11 =	vor.u32 @!p0 $0x60, v8;
	v6 =	vld @!p0 [tilespmem:$0x2060]  }
0x63: {  	v9 =	vld @!p0 [tilespmem:$0x2070];
	vm1 =	vgt.s32 @!p0 v10, v11  }
0x64: {  	v12 =	vld @!p0 [tilespmem:$0x20F0];
	v7 =	vnsel @!p0 vm1, $0x0, v7;
	_ =	sdelay $0x1  }
0x65: {  	v13 =	vor.u32 @!p0 $0x1D6800, v8;
	v8 =	vor.u32 @!p0 $0x70, v8;
	v63 =	vmpcnt.ones.xlane vm0  }
0x66: {  	vm2 =	vgt.s32 @!p0 v10, v8;
	[tilespmem:$0x20E0] =	vst @!p0 v7;
	v6 =	vsel @!p0 vm1, v6, v13;
	v7, _, _ =	vpop (xrf0)  }
0x67: {  	p1 =	sgt.s32 s31, $0x60;
	v8 =	vsel @!p0 vm2, v9, v13;
	(v2sf) =	vpush v63, $0x0;
	[tilespmem:$0x2060] =	vst @!p0 v6;
	v6 =	vadd.s32 $0xFFFFFFFF, v7  }
0x68: {  	s5 =	simm.s32 @!p0 $0x6;
	s31 =	simm.s32 @p1 $0x0;
	[tilespmem:$0x2070] =	vst @!p0 v8;
	v7 =	vnsel @!p0 vm2, $0x0, v12;
	v6 =	vsel vm0, v6, v2  }
0x69: {  	s7 =	simm.s32 @!p0 $0x80;
	s10 =	simm.s32 @!p0 $0x2000;
	s12 =	simm.s32 @!p0 $0x2080;
	[tilespmem:$0x20F0] =	vst @!p0 v7;
	v6 =	vadd.s32 s31, v6  }
0x6a: {  	[spmem:s3] =	stream.indirect.scatter.add.f32 @!p0 [tilespmem:s12], [sflag:$0x6], $0x1, s10, s7, $0xb8;
	[tilespmem:$0x1F788] =	vst v63  }
0x6b: {  	_ =	swait.ge @!p0 [sflag:s5], $0x80  }
0x6c: {  	[sflag:s5] =	ssyncset.done @!p0 $0x0  }
0x6d: {  	[sflag:s5] =	ssyncadd.s32 @!p0 $0xFFFFFF80  }
0x6e: {  	[tilespmem:v6+s26+$0x0] =	vst.idx.msk $0xffff, v5  }
0x6f: {  	v5 =	vld [tilespmem:s1+$0x1000];
	_ =	sdelay $0x1  }
0x70: {  	s21 =	sshll.u32 s2, $0xC;
	p0 =	seq.s32 s2, $0x92  }
0x71: {  	s1 =	sadd.s32 @!p0 s21, s16  }
0x72: {  	s1 =	sshrl.u32 @!p0 s1, $0x3  }
0x73: {  	s7 =	simm.s32 @!p0 $0x0;
	s5 =	sadd.s32 @!p0 s6, s1;
	[tilespmem:v6+s28+$0x0] =	vst.idx.msk $0xffff, v5  }
0x74: {  	[tilespmem:s7], [sflag:$0x1] =	stream.linear.gather @!p0 [hbm4b:s5+s7], $0x800, $0x38;
	[tilespmem:$0x1F788] =	vst v63  }
0x75: {  	s10 =	simm.s32 @!p0 $0x1000;
	s13 =	spop (v2sf);
	s1 =	sadd.s32 @!p0 s8, s1  }
0x76: {  	[tilespmem:s10], [sflag:$0x3] =	stream.linear.gather @!p0 [hbm4b:s1+s7], $0x800, $0x38;
	[tilespmem:$0x1F788] =	vst v63  }
0x77: {  	_ =	swait.ge [sflag:s29], $0x800  }
0x78: {  	[sflag:s29] =	ssyncset.done $0x0  }
0x79: {  	[sflag:s29] =	ssyncadd.s32 $0xFFFFF800  }
0x7a: {  	_ =	swait.ge [sflag:s30], $0x800  }
0x7b: {  	[sflag:s30] =	ssyncset.done $0x0  }
0x7c: {  	s7 =	simm.s32 $0x0;
	[sflag:s30] =	ssyncadd.s32 $0xFFFFF800  }
0x7d: {  	v5 =	vld [tilespmem:s7+$0x800];
	_ =	sdelay $0x4  }
0x7e: {  	v6 =	vsub.s32 v5, v4  }
0x7f: {  	vm15 =	vlt.u32 v6, $0x1D6800  }
0x80: {  	s10 =	sadd.s32 s31, s13;
	v5 =	vmpcnt.ones.xlane vm15  }
0x81: {  	p1 =	slt.s32 s10, $0x61  }
0x82: {  	(v2sf) =	vpush v5, $0x0;
	v5 =	vld @!p1 [tilespmem:$0x20E0]  }
0x83: {  	v7 =	vsel vm15, $0x1, v1  }
0x84: {  	v8 =	vlaneseq.u32 @!p1;
	(xrf0) =	vadd.scan.msk.s32 $0xffff, v7  }
0x85: {  	v10 =	vmov @!p1 s10;
	v11 =	vor.u32 @!p1 $0x60, v8;
	v9 =	vld @!p1 [tilespmem:$0x2070]  }
0x86: {  	vm1 =	vgt.s32 @!p1 v10, v11;
	v7 =	vld @!p1 [tilespmem:$0x2060]  }
0x87: {  	v12 =	vld @!p1 [tilespmem:$0x20F0];
	v5 =	vnsel @!p1 vm1, $0x0, v5  }
0x88: {  	v11 =	vor.u32 @!p1 $0x1D6800, v8;
	v8 =	vor.u32 @!p1 $0x70, v8  }
0x89: {  	vm2 =	vgt.s32 @!p1 v10, v8  }
0x8a: {  	v8 =	vsel @!p1 vm2, v9, v11;
	[tilespmem:$0x20E0] =	vst @!p1 v5;
	v5, _, _ =	vpop (xrf0)  }
0x8b: {  	p2 =	sgt.s32 s10, $0x60;
	[tilespmem:$0x2070] =	vst @!p1 v8;
	v7 =	vsel @!p1 vm1, v7, v11;
	v5 =	vadd.s32 $0xFFFFFFFF, v5  }
0x8c: {  	s1 =	simm.s32 @!p1 $0x6;
	s10 =	simm.s32 @p2 $0x0;
	[tilespmem:$0x2060] =	vst @!p1 v7;
	v7 =	vnsel @!p1 vm2, $0x0, v12;
	v5 =	vsel vm15, v5, v2  }
0x8d: {  	s5 =	simm.s32 @!p1 $0x80;
	s12 =	simm.s32 @!p1 $0x2000;
	s13 =	simm.s32 @!p1 $0x2080;
	[tilespmem:$0x20F0] =	vst @!p1 v7;
	v5 =	vadd.s32 s10, v5  }
0x8e: {  	[spmem:s3] =	stream.indirect.scatter.add.f32 @!p1 [tilespmem:s13], [sflag:$0x6], $0x1, s12, s5, $0xb8;
	[tilespmem:$0x1F788] =	vst v63  }
0x8f: {  	_ =	swait.ge @!p1 [sflag:s1], $0x80  }
0x90: {  	[sflag:s1] =	ssyncset.done @!p1 $0x0  }
0x91: {  	[sflag:s1] =	ssyncadd.s32 @!p1 $0xFFFFFF80  }
0x92: {  	[tilespmem:v5+s26+$0x0] =	vst.idx.msk $0xffff, v6  }
0x93: {  	v6 =	vld [tilespmem:s7+$0x1800]  }
0x94: {  	s14 =	spop (v2sf)  }
0x95: {  	s5 =	simm.s32 $0x80;
	s1 =	simm.s32 $0x40;
	s31 =	sadd.s32 s10, s14  }
.LBB2_6:
0x96: {  	s7 =	sshra.s32 s1, $0x2;
	s1 =	smov.u32 s5;
	s5 =	sadd.s32 $0x40, s5  }
0x97: {  	p1 =	sne.s32 s5, $0x2000  }
0x98: {  	[tilespmem:v5+s28+$0x0] =	vst.idx.msk $0xffff, v6  }
0x99: {  	v5 =	vld [tilespmem:s7+$0x800];
	_ =	sdelay $0x1  }
0x9a: {  	p2 =	slt.s32 s31, $0x61  }
0x9b: {  	v7 =	vlaneseq.u32 @!p2;
	v6 =	vmov @!p2 s31;
	v8 =	vld @!p2 [tilespmem:$0x2070]  }
0x9c: {  	v10 =	vor.u32 @!p2 $0x60, v7;
	v11 =	vor.u32 @!p2 $0x1D6800, v7;
	v7 =	vor.u32 @!p2 $0x70, v7;
	v9 =	vld @!p2 [tilespmem:$0x20E0]  }
0x9d: {  	vm1 =	vgt.s32 @!p2 v6, v10;
	vm2 =	vgt.s32 @!p2 v6, v7;
	v12 =	vsub.s32 v5, v4;
	v5 =	vld @!p2 [tilespmem:$0x2060]  }
0x9e: {  	v6 =	vld @!p2 [tilespmem:$0x20F0];
	vm0 =	vlt.u32 v12, $0x1D6800  }
0x9f: {  	v7 =	vsel vm0, $0x1, v1;
	v10 =	vmpcnt.ones.xlane vm0  }
0xa0: {  	(xrf0) =	vadd.scan.msk.s32 $0xffff, v7  }
0xa1: {  	v7 =	vnsel @!p2 vm1, $0x0, v9;
	(v2sf) =	vpush v10, $0x0  }
0xa2: {  	v5 =	vsel @!p2 vm1, v5, v11;
	[tilespmem:$0x20E0] =	vst @!p2 v7;
	v7 =	vsel @!p2 vm2, v8, v11  }
0xa3: {  	[tilespmem:$0x2060] =	vst @!p2 v5;
	v5 =	vnsel @!p2 vm2, $0x0, v6  }
0xa4: {  	s10 =	simm.s32 @!p2 $0x6;
	[tilespmem:$0x2070] =	vst @!p2 v7  }
0xa5: {  	s12 =	simm.s32 @!p2 $0x80;
	s13 =	simm.s32 @!p2 $0x2000;
	s14 =	simm.s32 @!p2 $0x2080;
	[tilespmem:$0x20F0] =	vst @!p2 v5  }
0xa6: {  	[spmem:s3] =	stream.indirect.scatter.add.f32 @!p2 [tilespmem:s14], [sflag:$0x6], $0x1, s13, s12, $0xb8;
	v5, _, _ =	vpop (xrf0);
	[tilespmem:$0x1F788] =	vst v63  }
0xa7: {  	p3 =	sgt.s32 s31, $0x60;
	_ =	swait.ge @!p2 [sflag:s10], $0x80;
	v5 =	vadd.s32 $0xFFFFFFFF, v5  }
0xa8: {  	s31 =	simm.s32 @p3 $0x0;
	v5 =	vsel vm0, v5, v2  }
0xa9: {  	v5 =	vadd.s32 s31, v5;
	_ =	sdelay $0x2  }
0xaa: {  	[sflag:s10] =	ssyncset.done @!p2 $0x0  }
.Ltmp1:
0xab: {  	[sflag:s10] =	ssyncadd.s32 @!p2 $0xFFFFFF80;
	(pc) =	sbr.rel @p1 .LBB2_6-.Ltmp1, $4  }
0xac: {  	[tilespmem:v5+s26+$0x0] =	vst.idx.msk $0xffff, v12  }
0xad: {  	v6 =	vld [tilespmem:s7+$0x1800]  }
0xae: {  	s7 =	spop (v2sf)  }
0xaf: {  	s31 =	sadd.s32 s31, s7  }
0xb0: {  	_ =	sdelay $0x3  }
0xb1: {  	s1 =	sshra.s32 s1, $0x2;
	[tilespmem:v5+s28+$0x0] =	vst.idx.msk $0xffff, v6  }
0xb2: {  	v5 =	vld [tilespmem:s1+$0x800];
	_ =	sdelay $0x4  }
0xb3: {  	p1 =	slt.s32 s31, $0x61;
	v5 =	vsub.s32 v5, v4  }
0xb4: {  	v7 =	vld @!p1 [tilespmem:$0x20E0];
	vm0 =	vlt.u32 v5, $0x1D6800  }
0xb5: {  	v6 =	vsel vm0, $0x1, v1  }
0xb6: {  	v8 =	vlaneseq.u32 @!p1;
	(xrf0) =	vadd.scan.msk.s32 $0xffff, v6  }
0xb7: {  	v11 =	vmov @!p1 s31;
	v12 =	vor.u32 @!p1 $0x60, v8;
	v6 =	vld @!p1 [tilespmem:$0x2060]  }
0xb8: {  	v9 =	vld @!p1 [tilespmem:$0x2070];
	vm1 =	vgt.s32 @!p1 v11, v12;
	v10 =	vmpcnt.ones.xlane vm0  }
0xb9: {  	v13 =	vld @!p1 [tilespmem:$0x20F0];
	v7 =	vnsel @!p1 vm1, $0x0, v7  }
0xba: {  	(v2sf) =	vpush v10, $0x0  }
0xbb: {  	v10 =	vor.u32 @!p1 $0x1D6800, v8;
	v8 =	vor.u32 @!p1 $0x70, v8  }
0xbc: {  	[tilespmem:$0x20E0] =	vst @!p1 v7;
	vm2 =	vgt.s32 @!p1 v11, v8;
	v6 =	vsel @!p1 vm1, v6, v10;
	v7, _, _ =	vpop (xrf0)  }
0xbd: {  	p2 =	sgt.s32 s31, $0x60;
	v8 =	vsel @!p1 vm2, v9, v10;
	[tilespmem:$0x2060] =	vst @!p1 v6;
	v6 =	vadd.s32 $0xFFFFFFFF, v7  }
0xbe: {  	s5 =	simm.s32 @!p1 $0x6;
	s31 =	simm.s32 @p2 $0x0;
	[tilespmem:$0x2070] =	vst @!p1 v8;
	v7 =	vnsel @!p1 vm2, $0x0, v13;
	v6 =	vsel vm0, v6, v2  }
0xbf: {  	s7 =	simm.s32 @!p1 $0x80;
	s10 =	simm.s32 @!p1 $0x2000;
	s12 =	simm.s32 @!p1 $0x2080;
	[tilespmem:$0x20F0] =	vst @!p1 v7;
	v6 =	vadd.s32 s31, v6  }
0xc0: {  	[spmem:s3] =	stream.indirect.scatter.add.f32 @!p1 [tilespmem:s12], [sflag:$0x6], $0x1, s10, s7, $0xb8;
	[tilespmem:$0x1F788] =	vst v63  }
0xc1: {  	_ =	swait.ge @!p1 [sflag:s5], $0x80  }
0xc2: {  	[sflag:s5] =	ssyncset.done @!p1 $0x0  }
0xc3: {  	[sflag:s5] =	ssyncadd.s32 @!p1 $0xFFFFFF80  }
0xc4: {  	[tilespmem:v6+s26+$0x0] =	vst.idx.msk $0xffff, v5  }
0xc5: {  	v5 =	vld [tilespmem:s1+$0x1800]  }
.Ltmp2:
0xc6: {  	_ = 	snop;
	(pc) =	sbr.rel @p0 .LBB2_9-.Ltmp2, $3  }
0xc7: {  	_ =	sdelay $0x1  }
0xc8: {  	s14 =	spop (v2sf)  }
0xc9: {  	s5 =	sadd.s32 s31, s14;
	[tilespmem:v6+s28+$0x0] =	vst.idx.msk $0xffff, v5  }
0xca: {  	s1 =	sadd.s32 s21, s17  }
.Ltmp3:
0xcb: {  	s1 =	sshrl.u32 s1, $0x3;
	(pc) =	sbr.rel .LBB2_3-.Ltmp3, $4  }
0xcc: {  	s7 =	sadd.s32 s6, s1  }
0xcd: {  	[tilespmem:s22], [sflag:$0x2] =	stream.linear.gather [hbm4b:s7+s4], $0x800, $0x38;
	[tilespmem:$0x1F788] =	vst v63  }
0xce: {  	s2 =	sadd.s32 $0x1, s2;
	s1 =	sadd.s32 s8, s1  }
0xcf: {  	[tilespmem:s23], [sflag:$0x4] =	stream.linear.gather [hbm4b:s1+s4], $0x800, $0x38;
	[tilespmem:$0x1F788] =	vst v63  }
.LBB2_9:
0xd0: {  	s2 =	simm.s32 $0x2000  }
0xd1: {  	s1 =	simm.s32 $0x2080;
	v6 =	vld [tilespmem:s2+$0x0]  }
0xd2: {  	v4 =	vmov s5;
	s5 =	simm.s32 $0x0;
	s7 =	simm.s32 $0x10;
	v5 =	vld [tilespmem:s1+$0x0]  }
.LBB2_10:
0xd3: {  	p0 =	sne.s32 s7, $0x70  }
0xd4: {  	v7 =	vor.u32 s5, v0;
	s5 =	smov.u32 s7  }
0xd5: {  	vm0 =	vlt.s32 v7, v4  }
.Ltmp4:
0xd6: {  	v6 =	vsel vm0, v6, v3;
	(pc) =	sbr.rel @p0 .LBB2_10-.Ltmp4, $4  }
0xd7: {  	[tilespmem:s2+$0x0] =	vst v6;
	v5 =	vnsel vm0, $0x0, v5  }
0xd8: {  	s2 =	sadd.s32 $0x10, s2;
	[tilespmem:s1+$0x0] =	vst v5  }
0xd9: {  	s1 =	sadd.s32 $0x10, s1;
	v6 =	vld [tilespmem:s2+$0x0]  }
0xda: {  	s7 =	sadd.s32 $0x10, s7;
	v5 =	vld [tilespmem:s1+$0x0]  }
0xdb: {  	_ = 	snop  }
0xdc: {  	v7 =	vor.u32 s5, v0  }
0xdd: {  	vm0 =	vlt.s32 v7, v4  }
0xde: {  	v4 =	vsel vm0, v6, v3  }
0xdf: {  	[tilespmem:s2+$0x0] =	vst v4;
	v4 =	vnsel vm0, $0x0, v5  }
0xe0: {  	s21 =	simm.s32 $0x80;
	s31 =	rddreg [dreg:$0x4];
	[tilespmem:s1+$0x0] =	vst v4  }
0xe1: {  	[spmem:s3] =	stream.indirect.scatter.add.f32 [tilespmem:s28], [sflag:$0x6], $0x1, s26, s21, $0xb8;
	[tilespmem:$0x1F788] =	vst v63  }
0xe2: {  	s0 =	sadd.s32 s31, s0;
	_ =	swait.ge [sflag:s20], $0x80  }
0xe3: {  	p0 =	sgt.u32 s0, $0x24A2980;
	[sflag:s20] =	ssyncset.done $0x0  }
0xe4: {  	p1 =	sgt.u32 @p0 s0, $0x24BFFFF;
	[sflag:s20] =	ssyncadd.s32 $0xFFFFFF80  }
0xe5: {  	p1 =	por p1, !p0;
	s2 =	stileid.u32;
	[bflag:$0x0] =	sbarrier.arrive $0xFFFF  }
0xe6: {  	s1 =	sshrl.u32 @!p1 s0, $0x3;
	s2 =	sshll.u32 @!p1 s2, $0x6;
	s7 =	rddreg [dreg:$0x1]  }
0xe7: {  	s5 =	sshrl.u32 @!p1 s9, $0x3;
	s2 =	sor.u32 @!p1 $0x1C05, s2;
	s1 =	sadd.s32 @!p1 s7, s1  }
0xe8: {  	[hbm:s1], [sflag:s2] =	dma.local @!p1 [spmem:s5], $0x36D0  }
0xe9: {  	s1 =	simm.s32 @!p1 $0x5  }
0xea: {  	s0 =	sshrl.u32 @!p0 s0, $0x3;
	_ =	swait.ge @!p1 [sflag:s1], $0x36D0  }
0xeb: {  	s18 =	sadd.s32 $0x1, s18;
	s0 =	sadd.s32 @!p0 s7, s0;
	[sflag:s1] =	ssyncset.done @!p1 $0x0  }
0xec: {  	[sflag:s1] =	ssyncadd.s32 @!p1 $0xFFFFC930;
	s1 =	sshrl.u32 @!p0 s9, $0x3;
	p1 =	sne.s32 s18, $0xA  }
0xed: {  	[hbm:s0], [sflag:s11] =	dma.local @!p0 [spmem:s1], $0x3AD0  }
.Ltmp5:
0xee: {  	_ = 	snop;
	(pc) =	sbr.rel @p1 .LBB2_2-.Ltmp5, $4  }
0xef: {  	s0 =	simm.s32 @!p0 $0x6  }
0xf0: {  	_ =	swait.ge @!p0 [sflag:s0], $0x3AD0  }
0xf1: {  	[sflag:s0] =	ssyncset.done @!p0 $0x0  }
0xf2: {  	[sflag:s0] =	ssyncadd.s32 @!p0 $0xFFFFC530  }
0xf3: {  	s1 =	rddreg [dreg:$0xb]  }
0xf4: {  	s0 =	rddreg [dreg:$0xa];
	s1 =	sadd.s32 $0x1, s1  }
0xf5: {  	p0 =	sne.s32 s1, s0  }
.Ltmp6:
0xf6: {  	_ = 	snop;
	(pc) =	sbr.rel @p0 .LBB2_1-.Ltmp6, $1  }
0xf7: {  	_ =	sdelay $0x3  }
0xf8: {  	_ =	sfence.sel $0x180000  }
0xf9: {  	[bflag:$0x0] =	sbarrier.arrive $0xFFFF  }
0xfa: {  	_ =	strace $0x90000047  }
0xfb: {  	s0 =	stileid.u32;
	[bflag:$0x2] =	sbarrier.arrive $0xFFFF  }
0xfc: {  	p0 =	sne.s32 s0, $0x0;
	s0 =	rddreg [dreg:$0x3]  }
0xfd: {  	s0 =	sadd.s32 @!p0 $0x100000, s0  }
0xfe: {  	[sflag:s0] =	ssyncadd.tile.s32 @!p0 $0x1;
	_ =	shalt  }
.Lfunc_end2:
_tile_overlayer_lowered:
.L_overlay_start_2:
0xff: {  	(tag) =	ssettag $0x2  }
0x100: {  	s0 =	rddreg [dreg:$0x0];
	s2 =	stileid.u32  }
0x101: {  	s1 =	rddreg [dreg:$0x1];
	p0 =	sne.s32 s2, $0x0  }
0x102: {  	s3 =	rddreg [dreg:$0x2];
	[bflag:$0x3] =	sbarrier.arrive $0xFFFF;
	s2 =	simm.s32 @!p0 $0x1C05  }
0x103: {  	[timem:s3], [sflag:s2] =	dma.local @!p0 [hbm:s0], s1  }
0x104: {  	s0 =	simm.s32 @!p0 $0x5  }
0x105: {  	_ =	swait.ge @!p0 [sflag:s0], s1  }
0x106: {  	s1 =	ssub.s32 @!p0 $0x0, s1;
	[sflag:s0] =	ssyncset.done @!p0 $0x0  }
0x107: {  	[sflag:s0] =	ssyncadd.s32 @!p0 s1  }
0x108: {  	[bflag:$0x3] =	sbarrier.arrive $0xFFFF  }
0x109: {  	_ =	shalt  }

// kernel: sparse-core-data-format-call.cloned.1.call-start
scs
called_computation_lowered:
.L_overlay_start_0:
0x0: {  	s2 =	sld [smem:$0x3FD9]  }
0x1: {  	s3 =	sld [smem:$0x3FFE];
	_ =	sdelay $0x1  }
0x2: {  	s1 =	srdreg.scid  }
0x3: {  	s0 =	sand.u32 $0x1, s1  }
0x4: {  	s18 =	sshll.u32 s0, $0xA;
	s2 =	sadd.s32 s3, s2  }
0x5: {  	s2 =	sadd.s32 s2, s18  }
0x6: {  	[smem:$0x3FC6] =	sst s2  }
0x7: {  	_ = 	snop  }
0x8: {  	s2 =	sld [smem:$0x3FD0];
	(tm) =	ssettm $0x1  }
0x9: {  	s19 =	sld [smem:$0x3FFB];
	_ =	sdelay $0x3  }
0xa: {  	_ =	strace s19  }
0xb: {  	s3 =	sld [smem:$0x3FFC];
	_ =	sdelay $0x3  }
0xc: {  	_ =	strace s3  }
0xd: {  	s3 =	sld [smem:$0x3FFD];
	_ =	sdelay $0x3  }
0xe: {  	_ =	strace s3  }
0xf: {  	_ =	strace $0x8FFFFFFF  }
0x10: {  	s20 =	sld [smem:$0x3FDB];
	_ =	sdelay $0x1  }
0x11: {  	s4 =	simm.s32 $_scs_section_size  }
0x12: {  	s5 =	simm.s32 $_size__tile_overlayer_lowered;
	s6 =	simm.s32 $_tile_overlayer_lowered  }
0x13: {  	s23 =	simm.s32 $0x1BFF;
	s22 =	sshll.u32 s6, $0x1;
	s3 =	sadd.s32 s4, s20  }
0x14: {  	s7 =	simm.s32 $0x0;
	s21 =	sshll.u32 s5, $0x1;
	s5 =	sadd.s32 s22, s3  }
0x15: {  	[timem:s7], [sflag:s23] =	dma.local [hbm:s5], s21  }
0x16: {  	_ =	swait.ge [sflag:s23], s21  }
0x17: {  	s4 =	ssub.s32 $0x0, s21;
	[sflag:s23] =	ssyncset.done $0x0  }
0x18: {  	[sflag:s23] =	ssyncadd.s32 s4;
	_ =	sdelay $0x1  }
0x19: {  	s24 =	simm.s32 $0x1B8B  }
0x1a: {  	_ =	swait.ge [sflag:s24], $0x1  }
0x1b: {  	[sflag:s24] =	ssyncset.done $0x0  }
0x1c: {  	s26 =	simm.s32 $0x1B8E;
	s25 =	sld [smem:$0x3FFE];
	[sflag:s24] =	ssyncadd.s32 $0xFFFFFFFF  }
0x1d: {  	s27 =	simm.s32 $execute0_lowered;
	[smem:$0x3FD2] =	sst s26  }
0x1e: {  	s5 =	sshll.u32 s27, $0x1;
	_ =	strace $0x80000049;
	[dreg:$0x1] =	wrdreg $0xFFFFFFFF  }
0x1f: {  	s28 =	simm.s32 $_size_execute0_lowered;
	s3 =	sadd.s32 s3, s5;
	[dreg:$0x0] =	wrdreg $0x0  }
0x20: {  	s5 =	sshll.u32 s28, $0x1;
	[dreg:$0x2] =	wrdreg s3  }
0x21: {  	[dreg:$0x3] =	wrdreg s5  }
0x22: {  	[dreg:$0x4] =	wrdreg $0xC0  }
0x23: {  	_ =	task [dreg:s7], $0x5FFFF  }
0x24: {  	[dreg:$0x1] =	wrdreg $0xFFFFFFFF  }
0x25: {  	[dreg:$0x0] =	wrdreg $0x60  }
0x26: {  	[dreg:$0x2] =	wrdreg s25  }
0x27: {  	[dreg:$0x3] =	wrdreg s2  }
0x28: {  	[dreg:$0x4] =	wrdreg $0x9  }
0x29: {  	_ =	task.clear_ibuf [dreg:s7], $0x5FFFF;
	_ =	strace $0x90000049  }
0x2a: {  	s29 =	simm.s32 $0x9;
	_ =	strace $0x8000004B  }
0x2b: {  	_ =	swait.ge [sflag:s29], $0x1  }
0x2c: {  	[sflag:s29] =	ssyncadd.s32 $0xFFFFFFFF  }
0x2d: {  	_ =	strace $0x9000004B  }
0x2e: {  	_ =	sfence  }
0x2f: {  	s30 =	sld [smem:$0x0];
	_ =	sdelay $0x2  }
0x30: {  	s31 =	sshll.u32 s1, $0xD;
	s1 =	sshrl.u32 s1, $0x2  }
0x31: {  	s3 =	sand.u32 $0x4000, s31;
	s1 =	sadd.s32 s1, s30  }
0x32: {  	s0 =	sor.u32 s3, s0;
	s1 =	sshll.u32 s1, $0x11  }
0x33: {  	s0 =	sor.u32 s1, s0  }
0x34: {  	s0 =	sadd.s32 $0x8F2B, s0  }
0x35: {  	[sflag:s0] =	ssyncadd.remote.s32 $0x1  }
0x36: {  	_ =	sfence.sel $0xFFFF  }
0x37: {  	[dreg:$0x0] =	wrdreg $0xFFFFFFFF;
	(pc) =	sbr.abs _section_cstart, $3  }
0x38: {  	[dreg:$0x1] =	wrdreg $0xFFFFFFFF  }
0x39: {  	_ =	task.clear_ibuf [dreg:s7], $0x2FFFF;
	_ =	strace $0x9FFFFFFF  }
0x3a: {  	(tm) =	ssettm $0x7FFFFFFF  }
0x3b: {  	_ =	shalt  }
tec
execute0_lowered:
.L_overlay_start_1:
0x0: {  	(tag) =	ssettag $0x1  }
0x1: {  	s0 =	rddreg [dreg:$0x0]  }
0x2: {  	s1 =	srdreg.scid;
	_ =	strace $0x8000004A;
	s2 =	stileid.u32  }
0x3: {  	s30 =	simm.s32 $0x1;
	s31 =	simm.s32 $0x2;
	s15 =	simm.s32 $0x0  }
0x4: {  	s16 =	simm.s32 $0x0;
	s17 =	simm.s32 $0x0;
	s8 =	simm.s32 $0x0  }
0x5: {  	s10 =	simm.s32 $0x0;
	s12 =	simm.s32 $0x0;
	s11 =	simm.s32 $0x0  }
.Ltmp0:
0x6: {  	s9 =	simm.s32 $0x0;
	s29 =	sshll.u32 s1, $0x4;
	(pc) =	sbr.rel .LBB1_1-.Ltmp0, $4  }
0x7: {  	s6 =	sadd.s32 $0x800, s0;
	[sflag:s30] =	ssyncpa.u1 $0x0;
	s0 =	sand.u32 $0x10, s29  }
0x8: {  	s7 =	sand.u32 $0x7, s2;
	[dreg:$0x3] =	wrdreg s6;
	s0 =	sor.u32 s2, s0  }
0x9: {  	[sflag:s31] =	ssyncpa.u1 $0x0;
	[dreg:$0x4] =	wrdreg s7;
	s22 =	sshrl.u32 s0, $0x3  }
0xa: {  	s14 =	smov.u32 s7;
	s13 =	smov.u32 s22;
	[dreg:$0x5] =	wrdreg s22  }
.LBB1_9:
0xb: {  	p0 =	sgt.s32 s8, $0x80;
	s3 =	smul.u32 $0xA8000, s12  }
0xc: {  	s0 =	smov.u32 s8;
	s1 =	sshrl.u32 s8, $0x5;
	s27 =	smul.u32 $0xC00, s10  }
0xd: {  	s4 =	sshrl.u32 s8, $0x3;
	s5 =	rddreg [dreg:$0x1];
	s0 =	simm.s32 @!p0 $0x80  }
0xe: {  	s28 =	sand.u32 $0x7, s8;
	s1 =	sand.u32 $0xFFFFFC, s1;
	s0 =	sadd.s32 s19, s0  }
0xf: {  	s29 =	rddreg [dreg:$0x6];
	s26 =	smulhi.u32 $0x2AAAAAB, s1;
	s2 =	sadd.s32 $0xFFFFFF80, s0  }
0x10: {  	s6 =	rddreg [dreg:$0x3];
	s0 =	ssub.s32 $0x100, s0;
	p0 =	sgt.s32 s2, $0x7F  }
0x11: {  	s7 =	rddreg [dreg:$0x4];
	s2 =	smul.u32 $0x60, s26;
	s0 =	simm.s32 @p0 $0x0  }
0x12: {  	s31 =	simm.s32 $0x800;
	s22 =	rddreg [dreg:$0x5];
	s0 =	smul.u32 s0, s18  }
0x13: {  	s4 =	sand.u32 $0xF, s4;
	s3 =	sadd.s32 s5, s3;
	s1 =	ssub.s32 s1, s2  }
0x14: {  	s2 =	sadd.s32 s27, s3;
	s3 =	sshll.u32 s28, $0x12;
	s0 =	smul.u32 $0x60, s0  }
0x15: {  	s1 =	sshll.u32 s1, $0x5;
	s2 =	sadd.s32 s4, s2;
	s4 =	sor.u32 $0x8000, s29  }
0x16: {  	s30 =	sor.u32 $0x400, s3;
	s1 =	sadd.s32 s1, s2;
	s0 =	sand.u32 $0x3FFFFFE0, s0  }
0x17: {  	[hbm4b:s1+s30] =	stream.strided.scatter [tilespmem:s4], [sflag:$0x2], s0, s31, s30, $0x20;
	[tilespmem:$0x10100] =	vst v63  }
.LBB1_10:
0x18: {  	p0 =	slt.u32 s9, $0x2  }
0x19: {  	p1 =	sgt.s32 @!p0 s17, $0x7  }
0x1a: {  	s0 =	smov.u32 s17;
	s1 =	sshra.s32 @!p0 s17, $0x1F;
	p1 =	por !p1, p0  }
0x1b: {  	s2 =	smov.u32 s16;
	s1 =	sand.u32 @!p0 s1, s17;
	s0 =	simm.s32 @p1 $0x7  }
0x1c: {  	s3 =	sshra.s32 @!p0 s16, $0x1F;
	p1 =	sgt.s32 @!p0 s16, $0xDF;
	s0 =	ssub.s32 @!p0 s0, s1  }
0x1d: {  	s4 =	sshra.s32 @!p0 s15, $0x1F;
	p2 =	por !p1, p0;
	s1 =	sadd.s32 @!p0 $0xFFFFFFF9, s0  }
0x1e: {  	s2 =	simm.s32 @p2 $0xDF;
	p1 =	sgt.s32 @!p0 s1, $0x0;
	s1 =	sand.u32 @!p0 s3, s16  }
0x1f: {  	s0 =	ssub.s32 @!p0 $0x8, s0;
	p2 =	sgt.s32 @!p0 s15, $0x80;
	s1 =	ssub.s32 @!p0 s2, s1  }
0x20: {  	p2 =	por !p2, p0;
	s3 =	smov.u32 s15;
	s2 =	sadd.s32 @!p0 $0xFFFFFF21, s1  }
0x21: {  	s3 =	simm.s32 @p2 $0x80;
	p2 =	sgt.s32 @!p0 s2, $0x0;
	s2 =	sand.u32 @!p0 s4, s15  }
0x22: {  	s0 =	smul.u32 @!p0 $0x60, s0;
	p1 =	por !p1, p0;
	s2 =	ssub.s32 @!p0 s3, s2  }
0x23: {  	s1 =	ssub.s32 @!p0 $0xE0, s1;
	p2 =	por !p2, p0;
	s3 =	sadd.s32 @!p0 $0xFFFFFF80, s2  }
0x24: {  	s0 =	simm.s32 @!p1 $0x0;
	s1 =	simm.s32 @!p2 $0x0;
	p2 =	sgt.s32 @!p0 s3, $0x7F  }
0x25: {  	s2 =	ssub.s32 @!p0 $0x100, s2;
	s0 =	smul.u32 @!p0 s1, s0;
	p1 =	por !p2, p0  }
0x26: {  	s1 =	sadd.s32 $0x80, s11;
	s3 =	smov.u32 s13;
	s2 =	simm.s32 @!p1 $0x0  }
0x27: {  	p1 =	sgt.s32 s1, $0xDF;
	s0 =	smul.u32 @!p0 s2, s0;
	s2 =	sadd.s32 $0x4, s13  }
0x28: {  	s3 =	smov.u32 @p1 s2  }
0x29: {  	s5 =	smov.u32 s14;
	s2 =	sadd.s32 $0x8, s14;
	p2 =	sgt.s32 s3, $0xDF  }
0x2a: {  	s9 =	sadd.s32 $0x1, s9;
	s5 =	smov.u32 @p2 s2  }
0x2b: {  	s17 =	smov.u32 s12;
	s1 =	simm.s32 @p1 $0x0;
	p1 =	sgt.s32 s5, $0x7  }
0x2c: {  	s12 =	smov.u32 s14;
	s5 =	smov.u32 @p1 s7;
	p1 =	sne.s32 s9, $0x72  }
.Ltmp1:
0x2d: {  	s16 =	smov.u32 s10;
	s10 =	smov.u32 s13;
	(pc) =	sbr.rel @!p1 .LBB1_11-.Ltmp1, $4  }
0x2e: {  	s4 =	simm.s32 @!p0 $0x2;
	s15 =	smov.u32 s8;
	s0 =	sand.u32 @!p0 $0x3FFFFFE0, s0  }
0x2f: {  	s8 =	smov.u32 s11;
	s11 =	smov.u32 s1;
	_ =	swait.ge @!p0 [sflag:s4], s0  }
0x30: {  	s0 =	ssub.s32 @!p0 $0x0, s0;
	s3 =	smov.u32 @p2 s22;
	[sflag:s4] =	ssyncset.done @!p0 $0x0  }
0x31: {  	s13 =	smov.u32 s3;
	[sflag:s4] =	ssyncadd.s32 @!p0 s0;
	s14 =	smov.u32 s5  }
.LBB1_1:
0x32: {  	p0 =	sgt.u32 s9, $0x6F;
	s18 =	smov.u32 s14  }
0x33: {  	s0 =	sand.u32 @!p0 $0x1FFFFFF, s11;
	p1 =	sgt.s32 @!p0 s14, $0x7;
	s19 =	sshra.s32 @!p0 s14, $0x1F  }
0x34: {  	s20 =	sshra.s32 @!p0 s13, $0x1F;
	s1 =	smulhi.u32 @!p0 $0x2492493, s0;
	p1 =	por !p1, p0  }
0x35: {  	s19 =	sand.u32 @!p0 s19, s14;
	s20 =	sand.u32 @!p0 s20, s13;
	s18 =	simm.s32 @p1 $0x7  }
0x36: {  	p1 =	sgt.s32 @!p0 s13, $0xDF;
	s1 =	sshrl.u32 @!p0 s1, $0x1;
	s18 =	ssub.s32 @!p0 s18, s19  }
0x37: {  	p1 =	por !p1, p0;
	s19 =	smov.u32 s13;
	s1 =	smul.u32 @!p0 $0xE0, s1  }
0x38: {  	s19 =	simm.s32 @p1 $0xDF;
	p1 =	sgt.s32 @!p0 s11, $0x60;
	s18 =	sadd.s32 @!p0 $0xFFFFFFF9, s18  }
0x39: {  	s19 =	ssub.s32 @!p0 s19, s20;
	p1 =	por !p1, p0;
	s20 =	smov.u32 s11  }
0x3a: {  	p2 =	sgt.s32 @!p0 s18, $0x0;
	s18 =	sshll.u32 @!p0 s18, $0x7;
	s21 =	sadd.s32 @!p0 $0xFFFFFF21, s19  }
0x3b: {  	s20 =	simm.s32 @p1 $0x60;
	p1 =	sgt.s32 @!p0 s21, $0x0;
	s21 =	sshra.s32 @!p0 s11, $0x1F  }
0x3c: {  	s19 =	ssub.s32 @!p0 $0xE0, s19;
	s18 =	ssub.s32 @!p0 $0x80, s18;
	s21 =	sand.u32 @!p0 s21, s11  }
0x3d: {  	p2 =	por !p2, p0;
	p1 =	por !p1, p0;
	s20 =	ssub.s32 @!p0 s20, s21  }
0x3e: {  	s18 =	simm.s32 @!p2 $0x0;
	s19 =	simm.s32 @!p1 $0x0;
	s21 =	sadd.s32 @!p0 $0xFFFFFFA0, s20  }
0x3f: {  	s0 =	ssub.s32 @!p0 s0, s1;
	s18 =	smul.u32 @!p0 s19, s18;
	p1 =	sgt.s32 @!p0 s21, $0x7F  }
0x40: {  	s19 =	ssub.s32 @!p0 $0xE0, s20;
	s20 =	smul.u32 @!p0 $0xC4000, s14;
	p1 =	por !p1, p0  }
0x41: {  	s1 =	smul.u32 @!p0 $0xE00, s13;
	s21 =	sxor.u32 @!p0 $0xFFFFFFFF, s9;
	s19 =	simm.s32 @!p1 $0x0  }
0x42: {  	s21 =	sshll.u32 @!p0 s21, $0xE;
	s18 =	smul.u32 @!p0 s19, s18;
	s19 =	sadd.s32 @!p0 s6, s20  }
0x43: {  	s0 =	sshll.u32 @!p0 s0, $0x4;
	s20 =	sand.u32 @!p0 $0x4000, s21;
	s1 =	sadd.s32 @!p0 s1, s19  }
0x44: {  	s18 =	sand.u32 @!p0 $0x3FFFFF80, s18;
	s0 =	sadd.s32 @!p0 s0, s1;
	s1 =	simm.s32 @!p0 $0x0  }
0x45: {  	[tilespmem:s20], [sflag:$0x1] =	stream.linear.gather @!p0 [hbm4b:s0+s1], s18, $0x38;
	[tilespmem:$0x10100] =	vst v63  }
0x46: {  	p0 =	seq.s32 s9, $0x0  }
0x47: {  	p1 =	seq.s32 @!p0 s9, $0x71  }
0x48: {  	p0 =	por p0, p1  }
.Ltmp2:
0x49: {  	_ = 	snop;
	(pc) =	sbr.rel @p0 .LBB1_10-.Ltmp2, $1  }
0x4a: {  	_ =	sdelay $0x3  }
0x4b: {  	p0 =	sgt.s32 s12, $0x7;
	s0 =	smov.u32 s12;
	s1 =	sshra.s32 s12, $0x1F  }
0x4c: {  	s18 =	sshra.s32 s10, $0x1F;
	s26 =	ssub.s32 $0x0, s8;
	s27 =	sshra.s32 s8, $0x1F  }
0x4d: {  	p1 =	sgt.s32 s8, $0x60;
	s20 =	smov.u32 s8;
	s0 =	simm.s32 @!p0 $0x7  }
0x4e: {  	s1 =	sand.u32 s1, s12;
	p0 =	sgt.s32 s10, $0xDF;
	s18 =	sand.u32 s18, s10  }
0x4f: {  	s20 =	simm.s32 @!p1 $0x60;
	s0 =	ssub.s32 s0, s1;
	s1 =	smov.u32 s10  }
0x50: {  	s19 =	sadd.s32 $0xFFFFFFF9, s0;
	s1 =	simm.s32 @!p0 $0xDF;
	s0 =	ssub.s32 $0x8, s0  }
0x51: {  	p0 =	sgt.s32 s19, $0x0;
	s1 =	ssub.s32 s1, s18;
	s19 =	sand.u32 s26, s27  }
0x52: {  	s21 =	sadd.s32 $0xFFFFFF21, s1;
	s1 =	ssub.s32 $0xE0, s1;
	s18 =	sadd.s32 s19, s20  }
0x53: {  	s0 =	simm.s32 @p0 $0x0;
	p1 =	sgt.s32 s21, $0x0;
	s20 =	sadd.s32 $0xFFFFFFA0, s18  }
0x54: {  	s1 =	simm.s32 @p1 $0x0;
	s28 =	sshll.u32 s20, $0x7;
	p0 =	sgt.s32 s20, $0x7F  }
0x55: {  	s18 =	smul.u32 s0, s1;
	s0 =	ssub.s32 $0x4000, s28;
	s1 =	sadd.s32 $0x1, s12  }
0x56: {  	s20 =	sadd.s32 $0x1, s10;
	s0 =	simm.s32 @p0 $0x0;
	p0 =	slt.s32 s1, $0x8  }
0x57: {  	s1 =	simm.s32 @!p0 $0x8;
	p0 =	slt.s32 s20, $0xE0  }
0x58: {  	s21 =	ssub.s32 s1, s12;
	s20 =	simm.s32 @!p0 $0xE0;
	s1 =	sadd.s32 $0x80, s8  }
0x59: {  	s22 =	ssub.s32 s20, s10;
	p1 =	slt.s32 s1, $0xE0;
	p0 =	slt.s32 s21, $0x1  }
0x5a: {  	s1 =	simm.s32 @!p1 $0xE0;
	p1 =	slt.s32 @!p0 s22, $0x1  }
0x5b: {  	s23 =	ssub.s32 s1, s8;
	p1 =	por p0, p1  }
0x5c: {  	p2 =	slt.s32 @!p1 s23, $0x1  }
0x5d: {  	s0 =	smul.u32 s18, s0;
	p1 =	por p1, p2  }
.Ltmp3:
0x5e: {  	_ = 	snop;
	(pc) =	sbr.rel @p1 .LBB1_9-.Ltmp3, $4  }
0x5f: {  	s2 =	simm.s32 $0x1;
	s29 =	sand.u32 $0x3FFFFF80, s0;
	s0 =	sand.u32 $0x1, s9  }
0x60: {  	_ =	swait.ge [sflag:s2], s29;
	s31 =	smul.u32 $0x4080, s0  }
0x61: {  	s30 =	ssub.s32 $0x0, s29;
	[sflag:s2] =	ssyncset.done $0x0  }
0x62: {  	[sflag:s2] =	ssyncadd.s32 s30;
	[dreg:$0x6] =	wrdreg s31  }
0x63: {  	s24 =	sshll.u32 @!p0 s0, $0xE;
	s0 =	rddreg [dreg:$0x6]  }
0x64: {  	s26 =	simm.s32 $0x0;
	s25 =	sor.u32 @!p0 $0x8000, s0  }
.LBB1_4:
0x65: {  	s27 =	simm.s32 $0x0  }
.LBB1_5:
0x66: {  	s0 =	sadd.s32 s26, s27  }
0x67: {  	s1 =	sshll.u32 s0, $0x10  }
0x68: {  	s1 =	sshra.s32 s1, $0x2  }
0x69: {  	s1 =	sadd.s32 s1, s24  }
0x6a: {  	s29 =	simm.s32 $0x0;
	s7 =	simm.s32 $0x0;
	s0 =	smul.u32 $0x10200, s0;
	v0 =	vmov s1  }
0x6b: {  	s31 =	simm.s32 $0x10;
	s4 =	simm.s32 $0x30;
	s3 =	simm.s32 $0x50  }
0x6c: {  	s31 =	sand.u32 $0x78, s31;
	s4 =	sand.u32 $0x78, s4;
	s0 =	sshra.s32 s0, $0x2  }
0x6d: {  	s31 =	smul.u32 $0x204, s31;
	s28 =	sadd.s32 s0, s25;
	s0 =	sand.u32 $0x78, s7  }
0x6e: {  	s4 =	smul.u32 $0x204, s4;
	s1 =	sand.u32 $0x3F80, s29;
	s2 =	sxor.u32 $0x40, s0  }
0x6f: {  	s30 =	simm.s32 $0x1;
	s3 =	sand.u32 $0x78, s3;
	s2 =	smul.u32 $0x204, s2;
	v1 =	vld.idx.msk [tilespmem:v0+s1+$0x40 ss:$0x1], $0xffff  }
0x70: {  	p0 =	sne.s32 s23, $0x1;
	s5 =	sand.u32 $0x7F, s29;
	s3 =	smul.u32 $0x204, s3  }
0x71: {  	s7 =	simm.s32 $0x20;
	s0 =	smul.u32 $0x204, s0;
	s2 =	sshrl.u32 s2, $0x2;
	v2 =	vld.idx.msk [tilespmem:v0+s1+$0x0 ss:$0x1], $0xffff  }
0x72: {  	s31 =	sshrl.u32 s31, $0x2;
	s7 =	sand.u32 $0x78, s7;
	v3 =	vld.idx.msk [tilespmem:v0+s1+$0x10 ss:$0x1], $0xffff;
	s2 =	sadd.s32 s2, s28  }
0x73: {  	s7 =	smul.u32 $0x204, s7;
	s0 =	sshrl.u32 s0, $0x2;
	v4 =	vld.idx.msk [tilespmem:v0+s1+$0x20 ss:$0x1], $0xffff;
	s2 =	sadd.s32 s5, s2  }
.Ltmp4:
0x74: {  	s4 =	sshrl.u32 s4, $0x2;
	s0 =	sadd.s32 s0, s28;
	[tilespmem:s2+$0x0 ss:$0x81] =	vst.msk $0xffff, v1;
	v1 =	vld.idx.msk [tilespmem:v0+s1+$0x30 ss:$0x1], $0xffff;
	(pc) =	sbr.rel @!p0 .LBB1_7-.Ltmp4, $4  }
0x75: {  	s20 =	sadd.s32 s31, s28;
	s7 =	sshrl.u32 s7, $0x2;
	s0 =	sadd.s32 s5, s0  }
0x76: {  	s3 =	sshrl.u32 s3, $0x2;
	s7 =	sadd.s32 s7, s28;
	[tilespmem:s0+$0x0 ss:$0x81] =	vst.msk $0xffff, v2;
	s2 =	sadd.s32 s5, s20;
	v2 =	vld.idx.msk [tilespmem:v0+s1+$0x50 ss:$0x1], $0xffff  }
0x77: {  	s6 =	sadd.s32 s4, s28;
	s20 =	sadd.s32 s5, s7;
	[tilespmem:s2+$0x0 ss:$0x81] =	vst.msk $0xffff, v3;
	s2 =	sadd.s32 s3, s28  }
0x78: {  	s31 =	simm.s32 $0x2808;
	s1 =	sadd.s32 s5, s6;
	[tilespmem:s20+$0x0 ss:$0x81] =	vst.msk $0xffff, v4;
	s0 =	sadd.s32 s5, s2  }
.LBB1_6:
0x79: {  	s2 =	sadd.s32 $0xFFFFD800, s31;
	s3 =	sadd.s32 $0xFFFFE000, s31;
	[tilespmem:s1+$0x0 ss:$0x81] =	vst.msk $0xffff, v1;
	s1 =	smov.u32 s30  }
0x7a: {  	s30 =	sadd.s32 $0x1, s30;
	s29 =	sadd.s32 $0x80, s29;
	s4 =	sadd.s32 $0xFFFFE800, s31  }
0x7b: {  	s5 =	sadd.s32 $0xFFFFF000, s31;
	s2 =	sshrl.u32 s2, $0x7;
	p0 =	sne.s32 s23, s30;
	[tilespmem:s0+$0x0 ss:$0x81] =	vst.msk $0xffff, v2  }
0x7c: {  	s6 =	sshrl.u32 s31, $0x7;
	s0 =	sand.u32 $0x3F80, s29;
	s2 =	sand.u32 $0x78, s2  }
0x7d: {  	s3 =	sshrl.u32 s3, $0x7;
	s4 =	sshrl.u32 s4, $0x7;
	v3 =	vld.idx.msk [tilespmem:v0+s0+$0x40 ss:$0x1], $0xffff;
	s7 =	sxor.u32 $0x40, s2  }
0x7e: {  	s5 =	sshrl.u32 s5, $0x7;
	s6 =	sand.u32 $0x78, s6;
	v4 =	vld.idx.msk [tilespmem:v0+s0+$0x0 ss:$0x1], $0xffff;
	s7 =	smul.u32 $0x204, s7  }
0x7f: {  	s20 =	sand.u32 $0x7F, s1;
	s3 =	sand.u32 $0x78, s3;
	s4 =	sand.u32 $0x78, s4;
	v5 =	vld.idx.msk [tilespmem:v0+s0+$0x10 ss:$0x1], $0xffff  }
0x80: {  	s5 =	sand.u32 $0x78, s5;
	s1 =	smul.u32 $0x204, s2;
	v6 =	vld.idx.msk [tilespmem:v0+s0+$0x20 ss:$0x1], $0xffff;
	s7 =	sshrl.u32 s7, $0x2  }
0x81: {  	s3 =	smul.u32 $0x204, s3;
	v1 =	vld.idx.msk [tilespmem:v0+s0+$0x30 ss:$0x1], $0xffff;
	s2 =	sadd.s32 s7, s28  }
0x82: {  	s2 =	sadd.s32 s20, s2;
	v2 =	vld.idx.msk [tilespmem:v0+s0+$0x50 ss:$0x1], $0xffff;
	s0 =	sshrl.u32 s1, $0x2;
	s1 =	smul.u32 $0x204, s4  }
0x83: {  	s4 =	smul.u32 $0x204, s6;
	[tilespmem:s2+$0x0 ss:$0x81] =	vst.msk $0xffff, v3  }
0x84: {  	s0 =	sadd.s32 s0, s28;
	s2 =	sshrl.u32 s3, $0x2;
	s3 =	smul.u32 $0x204, s5  }
.Ltmp5:
0x85: {  	s2 =	sadd.s32 s2, s28;
	s1 =	sshrl.u32 s1, $0x2;
	(pc) =	sbr.rel @p0 .LBB1_6-.Ltmp5, $4  }
0x86: {  	s0 =	sadd.s32 s20, s0;
	s1 =	sadd.s32 s1, s28;
	s3 =	sshrl.u32 s3, $0x2  }
0x87: {  	[tilespmem:s0+$0x0 ss:$0x81] =	vst.msk $0xffff, v4;
	s0 =	sadd.s32 s20, s2;
	s2 =	sadd.s32 s3, s28;
	s3 =	sshrl.u32 s4, $0x2  }
0x88: {  	[tilespmem:s0+$0x0 ss:$0x81] =	vst.msk $0xffff, v5;
	s0 =	sadd.s32 s20, s1;
	s1 =	sadd.s32 s20, s2;
	s2 =	sadd.s32 s3, s28  }
0x89: {  	s31 =	sadd.s32 $0x8, s31;
	[tilespmem:s0+$0x0 ss:$0x81] =	vst.msk $0xffff, v6;
	s0 =	sadd.s32 s20, s2  }
.LBB1_7:
0x8a: {  	s27 =	sadd.s32 $0x1, s27  }
0x8b: {  	p0 =	sne.s32 s27, s22  }
.Ltmp6:
0x8c: {  	_ = 	snop;
	(pc) =	sbr.rel @p0 .LBB1_5-.Ltmp6, $3  }
0x8d: {  	_ =	sdelay $0x1  }
0x8e: {  	[tilespmem:s1+$0x0 ss:$0x81] =	vst.msk $0xffff, v1  }
0x8f: {  	[tilespmem:s0+$0x0 ss:$0x81] =	vst.msk $0xffff, v2  }
0x90: {  	s26 =	sadd.s32 $0x1, s26  }
0x91: {  	p0 =	sne.s32 s26, s21  }
.Ltmp7:
0x92: {  	_ = 	snop;
	(pc) =	sbr.rel @p0 .LBB1_4-.Ltmp7, $4  }
.Ltmp8:
0x93: {  	_ = 	snop;
	(pc) =	sbr.rel @!p0 .LBB1_9-.Ltmp8, $4  }
0x94: {  	_ = 	snop  }
0x95: {  	_ = 	snop  }
0x96: {  	_ = 	snop  }
0x97: {  	_ = 	snop  }
.LBB1_11:
0x98: {  	_ =	sfence.sel $0x180000  }
0x99: {  	s0 =	simm.s32 $0x1;
	[bflag:$0x0] =	sbarrier.arrive $0xFFFF  }
0x9a: {  	s30 =	simm.s32 $0x2;
	[sflag:s0] =	ssyncpa.u1 $0x1  }
0x9b: {  	[sflag:s30] =	ssyncpa.u1 $0x1  }
0x9c: {  	_ =	strace $0x9000004A  }
0x9d: {  	s31 =	stileid.u32;
	[bflag:$0x2] =	sbarrier.arrive $0xFFFF  }
0x9e: {  	p0 =	sne.s32 s31, $0x0;
	s0 =	rddreg [dreg:$0x2]  }
0x9f: {  	s0 =	sadd.s32 @!p0 $0x100000, s0  }
0xa0: {  	[sflag:s0] =	ssyncadd.tile.s32 @!p0 $0x1;
	_ =	shalt  }
.Lfunc_end1:
_tile_overlayer_lowered:
.L_overlay_start_2:
0xa1: {  	(tag) =	ssettag $0x2  }
0xa2: {  	s0 =	rddreg [dreg:$0x0];
	s2 =	stileid.u32  }
0xa3: {  	s1 =	rddreg [dreg:$0x1];
	p0 =	sne.s32 s2, $0x0  }
0xa4: {  	s3 =	rddreg [dreg:$0x2];
	[bflag:$0x3] =	sbarrier.arrive $0xFFFF;
	s2 =	simm.s32 @!p0 $0x1C01  }
0xa5: {  	[timem:s3], [sflag:s2] =	dma.local @!p0 [hbm:s0], s1  }
0xa6: {  	s0 =	simm.s32 @!p0 $0x1  }
0xa7: {  	_ =	swait.ge @!p0 [sflag:s0], s1  }
0xa8: {  	s1 =	ssub.s32 @!p0 $0x0, s1;
	[sflag:s0] =	ssyncset.done @!p0 $0x0  }
0xa9: {  	[sflag:s0] =	ssyncadd.s32 @!p0 s1  }
0xaa: {  	[bflag:$0x3] =	sbarrier.arrive $0xFFFF  }
0xab: {  	_ =	shalt  }

</sc_bundles>
